<compile_context>
chip_gen: v7x
topology: tpu7x:2x2x1
jax: 0.10.2.dev20260603
libtpu: 0.0.44.dev20260713+nightly
codegen_flags: <defaults>
</compile_context>

<pallas_src>
import functools

import jax
import jax.numpy as jnp
from jax import lax
from jax.experimental import pallas as pl
from jax.experimental.pallas import tpu as pltpu
from jax.experimental.pallas import tpu_sc as plsc

N = 10000
E = 320000
D = 128
H = 128
C = 10
B = 64
LAYERS = 3

NC = 2
NS = 16
NW = NC * NS
EPW = E // NW
K = 80
EPWP = EPW
NCHUNK = EPWP // K
RPS = 632
NP = NS * RPS



def _segsum_body(h_hbm, src_hbm, dst_hbm, zeros_hbm, out_hbm,
                 sidx_v, didx_v, rows_v, agg_s, sem):
    c = lax.axis_index("c")
    s = lax.axis_index("s")
    w = c * NS + s

    pltpu.sync_copy(zeros_hbm, agg_s.at[pl.ds(s * RPS, RPS)])
    pltpu.sync_copy(src_hbm.at[w], sidx_v)
    pltpu.sync_copy(dst_hbm.at[w], didx_v)

    plsc.subcore_barrier()

    def eloop(j, carry):
        pltpu.async_copy(h_hbm.at[sidx_v.at[j]], rows_v, sem).wait()
        pltpu.sync_copy(rows_v, agg_s.at[didx_v.at[j]], add=True)
        return carry

    lax.fori_loop(0, NCHUNK, eloop, 0)

    plsc.subcore_barrier()

    pltpu.sync_copy(agg_s.at[pl.ds(s * RPS, RPS)],
                    out_hbm.at[c].at[pl.ds(s * RPS, RPS)])


_segsum = pl.kernel(
    _segsum_body,
    out_type=jax.ShapeDtypeStruct((NC, NP, D), jnp.float32),
    mesh=plsc.VectorSubcoreMesh(core_axis_name="c", subcore_axis_name="s"),
    scratch_types=[
        pltpu.VMEM((NCHUNK, K), jnp.int32),
        pltpu.VMEM((NCHUNK, K), jnp.int32),
        pltpu.VMEM((K, D), jnp.float32),
        pltpu.VMEM_SHARED((NP, D), jnp.float32),
        pltpu.SemaphoreType.DMA,
    ],
)


RBLK = 400
NBLK = N // RBLK

_DN_T = (((1,), (1,)), ((), ()))
_HI = lax.Precision.HIGHEST


def _conv_body(residual, aggs_ref, h_ref, wrel_ref, brel_ref, wroot_ref,
               out_ref):
    a = aggs_ref[0] + aggs_ref[1]
    t = lax.dot_general(a, wrel_ref[...], _DN_T,
                        preferred_element_type=jnp.float32, precision=_HI)
    r = lax.dot_general(h_ref[...], wroot_ref[...], _DN_T,
                        preferred_element_type=jnp.float32, precision=_HI)
    o = jnp.maximum(t + brel_ref[...] + r, 0.0)
    if residual:
        o = o + h_ref[...]
    out_ref[...] = o


def _make_conv(residual):
    return pl.pallas_call(
        functools.partial(_conv_body, residual),
        grid=(NBLK,),
        in_specs=[
            pl.BlockSpec((NC, RBLK, D), lambda i: (0, i, 0)),
            pl.BlockSpec((RBLK, D), lambda i: (i, 0)),
            pl.BlockSpec((H, D), lambda i: (0, 0)),
            pl.BlockSpec((1, H), lambda i: (0, 0)),
            pl.BlockSpec((H, D), lambda i: (0, 0)),
        ],
        out_specs=pl.BlockSpec((RBLK, H), lambda i: (i, 0)),
        out_shape=jax.ShapeDtypeStruct((N, H), jnp.float32),
    )


_conv0 = _make_conv(False)
_convr = _make_conv(True)



def _pool_body(h_ref, b3_ref, wlin_ref, blin_ref, out_ref, acc, cnt):
    i = pl.program_id(0)

    @pl.when(i == 0)
    def _():
        acc[...] = jnp.zeros_like(acc)
        cnt[...] = jnp.zeros_like(cnt)

    bid = b3_ref[0]
    rows = lax.broadcasted_iota(jnp.int32, (B, RBLK), 0)
    m = (bid == rows).astype(jnp.float32)
    acc[...] += lax.dot_general(m, h_ref[...], (((1,), (0,)), ((), ())),
                                preferred_element_type=jnp.float32,
                                precision=_HI)
    cnt[...] += jnp.broadcast_to(jnp.sum(m, axis=1, keepdims=True), (B, H))

    @pl.when(i == NBLK - 1)
    def _():
        pooled = acc[...] / jnp.maximum(cnt[...], 1.0)
        out_ref[...] = lax.dot_general(
            pooled, wlin_ref[...], _DN_T,
            preferred_element_type=jnp.float32, precision=_HI) + blin_ref[...]


_pool = pl.pallas_call(
    _pool_body,
    grid=(NBLK,),
    in_specs=[
        pl.BlockSpec((RBLK, H), lambda i: (i, 0)),
        pl.BlockSpec((1, 1, RBLK), lambda i: (i, 0, 0)),
        pl.BlockSpec((C, H), lambda i: (0, 0)),
        pl.BlockSpec((1, C), lambda i: (0, 0)),
    ],
    out_specs=pl.BlockSpec((B, C), lambda i: (0, 0)),
    out_shape=jax.ShapeDtypeStruct((B, C), jnp.float32),
    scratch_shapes=[
        pltpu.VMEM((B, H), jnp.float32),
        pltpu.VMEM((B, H), jnp.float32),
    ],
)



def _convpool_body(aggs_ref, h_ref, wrel_ref, brel_ref, wroot_ref, b3_ref,
                   wlin_ref, blin_ref, out_ref, acc, cnt):
    i = pl.program_id(0)

    @pl.when(i == 0)
    def _():
        acc[...] = jnp.zeros_like(acc)
        cnt[...] = jnp.zeros_like(cnt)

    a = aggs_ref[0] + aggs_ref[1]
    t = lax.dot_general(a, wrel_ref[...], _DN_T,
                        preferred_element_type=jnp.float32, precision=_HI)
    r = lax.dot_general(h_ref[...], wroot_ref[...], _DN_T,
                        preferred_element_type=jnp.float32, precision=_HI)
    o = jnp.maximum(t + brel_ref[...] + r, 0.0) + h_ref[...]

    bid = b3_ref[0]
    rows = lax.broadcasted_iota(jnp.int32, (B, RBLK), 0)
    m = (bid == rows).astype(jnp.float32)
    acc[...] += lax.dot_general(m, o, (((1,), (0,)), ((), ())),
                                preferred_element_type=jnp.float32,
                                precision=_HI)
    cnt[...] += jnp.broadcast_to(jnp.sum(m, axis=1, keepdims=True), (B, H))

    @pl.when(i == NBLK - 1)
    def _():
        pooled = acc[...] / jnp.maximum(cnt[...], 1.0)
        out_ref[...] = lax.dot_general(
            pooled, wlin_ref[...], _DN_T,
            preferred_element_type=jnp.float32, precision=_HI) + blin_ref[...]


_convpool = pl.pallas_call(
    _convpool_body,
    grid=(NBLK,),
    in_specs=[
        pl.BlockSpec((NC, RBLK, D), lambda i: (0, i, 0)),
        pl.BlockSpec((RBLK, D), lambda i: (i, 0)),
        pl.BlockSpec((H, D), lambda i: (0, 0)),
        pl.BlockSpec((1, H), lambda i: (0, 0)),
        pl.BlockSpec((H, D), lambda i: (0, 0)),
        pl.BlockSpec((1, 1, RBLK), lambda i: (i, 0, 0)),
        pl.BlockSpec((C, H), lambda i: (0, 0)),
        pl.BlockSpec((1, C), lambda i: (0, 0)),
    ],
    out_specs=pl.BlockSpec((B, C), lambda i: (0, 0)),
    out_shape=jax.ShapeDtypeStruct((B, C), jnp.float32),
    scratch_shapes=[
        pltpu.VMEM((B, H), jnp.float32),
        pltpu.VMEM((B, H), jnp.float32),
    ],
)


def kernel(x, edge_index, batch, W_rel1, b_rel1, W_root1, W_rel2, b_rel2,
           W_root2, W_lin, b_lin):
    src = edge_index[0].reshape(NW, EPW)
    dst = edge_index[1].reshape(NW, EPW)
    pad = EPWP - EPW
    srcp = jnp.concatenate(
        [src, jnp.zeros((NW, pad), jnp.int32)],
        axis=1).reshape(NW, NCHUNK, K)
    dstp = jnp.concatenate(
        [dst, jnp.full((NW, pad), N, jnp.int32)],
        axis=1).reshape(NW, NCHUNK, K)
    zrows = jnp.zeros((RPS, D), jnp.float32)
    batch3 = batch.reshape(NBLK, 1, RBLK)
    b_rel1_2 = b_rel1.reshape(1, H)
    b_rel2_2 = b_rel2.reshape(1, H)
    b_lin_2 = b_lin.reshape(1, C)

    aggs = _segsum(x, srcp, dstp, zrows)
    h = _conv0(aggs, x, W_rel1, b_rel1_2, W_root1)
    for _ in range(LAYERS - 1):
        aggs = _segsum(h, srcp, dstp, zrows)
        h = _convr(aggs, h, W_rel2, b_rel2_2, W_root2)
    aggs = _segsum(h, srcp, dstp, zrows)
    return _convpool(aggs, h, W_rel2, b_rel2_2, W_root2, batch3, W_lin,
                     b_lin_2)

# --- scband reference (transcript-rebuilt; emitter-appended) ---
"""Pipeline reference for scband-gcn-32908039422461 (READ-ONLY COPY).

The authoritative reference and input builder live on the scoring server;
editing this copy changes nothing except your own understanding.
"""

import jax, jax.numpy as jnp
import numpy as np

N = 10000
E = 320000
D = 128
H = 128
C = 10
B = 64
LAYERS = 3

def _uniform(key, shape, fan_in):
    bound = 1.0 / np.sqrt(fan_in)
    return jax.random.uniform(key, shape, minval=-bound, maxval=bound, dtype=jnp.float32)

def setup_inputs(seed: int = 0):
    key = jax.random.key(seed)
    ks = jax.random.split(key, 16)
    x = jax.random.normal(ks[0], (N, D), dtype=jnp.float32)
    edge_index = jax.random.randint(ks[1], (2, E), 0, N, dtype=jnp.int32)
    batch = jnp.sort(jax.random.randint(ks[2], (N,), 0, B, dtype=jnp.int32))
    return {
        'x': x,
        'edge_index': edge_index,
        'batch': batch,
        'W_rel1': _uniform(ks[3], (H, D), D),
        'b_rel1': _uniform(ks[4], (H,), D),
        'W_root1': _uniform(ks[5], (H, D), D),
        'W_rel2': _uniform(ks[6], (H, H), H),
        'b_rel2': _uniform(ks[7], (H,), H),
        'W_root2': _uniform(ks[8], (H, H), H),
        'W_lin': _uniform(ks[9], (C, H), H),
        'b_lin': _uniform(ks[10], (C,), H),
    }

def reference(x, edge_index, batch, W_rel1, b_rel1, W_root1, W_rel2, b_rel2, W_root2, W_lin, b_lin):
    src = edge_index[0]
    dst = edge_index[1]

    def graph_conv(h, W_rel, b_rel, W_root):
        # PyG GraphConv (aggr='add'): out = lin_rel(sum_{j->i} x_j) + lin_root(x_i)
        agg = jax.ops.segment_sum(h[src], dst, num_segments=N)
        return agg @ W_rel.T + b_rel + h @ W_root.T

    h = jax.nn.relu(graph_conv(x, W_rel1, b_rel1, W_root1))
    for _ in range(LAYERS):
        prev = h
        h = jax.nn.relu(graph_conv(h, W_rel2, b_rel2, W_root2)) + prev
    # global_mean_pool over batch ids
    sums = jax.ops.segment_sum(h, batch, num_segments=B)
    counts = jax.ops.segment_sum(jnp.ones((N,), dtype=jnp.float32), batch, num_segments=B)
    pooled = sums / jnp.clip(counts, 1.0)[:, None]
    # dropout is identity in eval mode
    out = pooled @ W_lin.T + b_lin
    return out

if __name__ == "__main__":
    import jax
    _d = setup_inputs()
    print(jax.jit(kernel)(*tuple(_d.values())))

</pallas_src>

<mosaic_0001>
#map = affine_map<(d0, d1) -> (0, 0)>
#map1 = affine_map<(d0, d1) -> (0, 0, 0)>
module attributes {stable_mosaic.version = 14 : i64} {
  func.func @_segsum_body(%arg0: i32, %arg1: i32, %arg2: memref<10000x128xf32, #tpu.memory_space<hbm>>, %arg3: memref<32x125x80xi32, #tpu.memory_space<hbm>>, %arg4: memref<32x125x80xi32, #tpu.memory_space<hbm>>, %arg5: memref<632x128xf32, #tpu.memory_space<hbm>>, %arg6: memref<2x10112x128xf32, #tpu.memory_space<hbm>>, %arg7: memref<125x80xi32, #tpu.memory_space<vmem>>, %arg8: memref<125x80xi32, #tpu.memory_space<vmem>>, %arg9: memref<80x128xf32, #tpu.memory_space<vmem>>, %arg10: memref<10112x128xf32, #tpu.memory_space<vmem_shared>>, %arg11: memref<!tpu.dma_semaphore, #tpu.memory_space<semaphore_mem>>) attributes {dimension_semantics = [#tpu.dimension_semantics<core_parallel>, #tpu.dimension_semantics<subcore_parallel>], iteration_bounds = array<i64: 2, 16>, scalar_prefetch = 0 : i64, scratch_operands = 5 : i64, tpu.core_type = #tpu.core_type<sc_vector_subcore>, window_params = [{transform_indices = #map}, {transform_indices = #map1}, {transform_indices = #map1}, {transform_indices = #map}, {transform_indices = #map1}]} {
    %mul3A = arith.constant 16 : i32
    %mul3A_0 = arith.muli %arg0, %mul3A : i32
    %add3A = arith.addi %mul3A_0, %arg1 : i32
    %mul3A_1 = arith.constant 632 : i32
    %mul3A_2 = arith.muli %arg1, %mul3A_1 : i32
    "tpu.region"() ({
      %run_scoped3A = tpu.sem_alloc : memref<!tpu.dma_semaphore, #tpu.memory_space<semaphore_mem>>
      %dma_start3A = arith.constant 0 : i32
      %dma_start3A_13 = tpu.memref_slice %arg10[%mul3A_2, %dma_start3A] : memref<10112x128xf32, #tpu.memory_space<vmem_shared>> -> memref<632x128xf32, #tpu.memory_space<vmem_shared>>
      tpu.enqueue_dma source(%arg5 : memref<632x128xf32, #tpu.memory_space<hbm>>) target(%dma_start3A_13 : memref<632x128xf32, #tpu.memory_space<vmem_shared>>) target_semaphore(%run_scoped3A : memref<!tpu.dma_semaphore, #tpu.memory_space<semaphore_mem>>)
      %dma_wait3A = arith.constant 0 : i32
      %dma_wait3A_14 = tpu.memref_slice %arg10[%mul3A_2, %dma_wait3A] : memref<10112x128xf32, #tpu.memory_space<vmem_shared>> -> memref<632x128xf32, #tpu.memory_space<vmem_shared>>
      tpu.wait_dma2 semaphore(%run_scoped3A : memref<!tpu.dma_semaphore, #tpu.memory_space<semaphore_mem>>) src(%arg5 : memref<632x128xf32, #tpu.memory_space<hbm>>) dst(%dma_wait3A_14 : memref<632x128xf32, #tpu.memory_space<vmem_shared>>)
      tpu.yield
    }) : () -> ()
    "tpu.region"() ({
      %run_scoped3A = tpu.sem_alloc : memref<!tpu.dma_semaphore, #tpu.memory_space<semaphore_mem>>
      %dma_start3A = arith.constant 0 : i32
      %dma_start3A_13 = arith.constant 0 : i32
      %dma_start3A_14 = tpu.memref_slice %arg3[%add3A, %dma_start3A, %dma_start3A_13] : memref<32x125x80xi32, #tpu.memory_space<hbm>> -> memref<1x125x80xi32, #tpu.memory_space<hbm>>
      %dma_start3A_15 = tpu.memref_squeeze %dma_start3A_14 : memref<1x125x80xi32, #tpu.memory_space<hbm>> -> memref<125x80xi32, #tpu.memory_space<hbm>>
      %dma_start3A_16 = arith.constant 0 : i32
      %dma_start3A_17 = arith.constant 0 : i32
      %dma_start3A_18 = tpu.memref_slice %arg3[%add3A, %dma_start3A_16, %dma_start3A_17] : memref<32x125x80xi32, #tpu.memory_space<hbm>> -> memref<1x125x80xi32, #tpu.memory_space<hbm>>
      %dma_start3A_19 = tpu.memref_squeeze %dma_start3A_18 : memref<1x125x80xi32, #tpu.memory_space<hbm>> -> memref<125x80xi32, #tpu.memory_space<hbm>>
      tpu.enqueue_dma source(%dma_start3A_19 : memref<125x80xi32, #tpu.memory_space<hbm>>) target(%arg7 : memref<125x80xi32, #tpu.memory_space<vmem>>) target_semaphore(%run_scoped3A : memref<!tpu.dma_semaphore, #tpu.memory_space<semaphore_mem>>)
      %dma_wait3A = arith.constant 0 : i32
      %dma_wait3A_20 = arith.constant 0 : i32
      %dma_wait3A_21 = tpu.memref_slice %arg3[%add3A, %dma_wait3A, %dma_wait3A_20] : memref<32x125x80xi32, #tpu.memory_space<hbm>> -> memref<1x125x80xi32, #tpu.memory_space<hbm>>
      %dma_wait3A_22 = tpu.memref_squeeze %dma_wait3A_21 : memref<1x125x80xi32, #tpu.memory_space<hbm>> -> memref<125x80xi32, #tpu.memory_space<hbm>>
      %dma_wait3A_23 = arith.constant 0 : i32
      %dma_wait3A_24 = arith.constant 0 : i32
      %dma_wait3A_25 = tpu.memref_slice %arg3[%add3A, %dma_wait3A_23, %dma_wait3A_24] : memref<32x125x80xi32, #tpu.memory_space<hbm>> -> memref<1x125x80xi32, #tpu.memory_space<hbm>>
      %dma_wait3A_26 = tpu.memref_squeeze %dma_wait3A_25 : memref<1x125x80xi32, #tpu.memory_space<hbm>> -> memref<125x80xi32, #tpu.memory_space<hbm>>
      tpu.wait_dma2 semaphore(%run_scoped3A : memref<!tpu.dma_semaphore, #tpu.memory_space<semaphore_mem>>) src(%dma_wait3A_26 : memref<125x80xi32, #tpu.memory_space<hbm>>) dst(%arg7 : memref<125x80xi32, #tpu.memory_space<vmem>>)
      tpu.yield
    }) : () -> ()
    "tpu.region"() ({
      %run_scoped3A = tpu.sem_alloc : memref<!tpu.dma_semaphore, #tpu.memory_space<semaphore_mem>>
      %dma_start3A = arith.constant 0 : i32
      %dma_start3A_13 = arith.constant 0 : i32
      %dma_start3A_14 = tpu.memref_slice %arg4[%add3A, %dma_start3A, %dma_start3A_13] : memref<32x125x80xi32, #tpu.memory_space<hbm>> -> memref<1x125x80xi32, #tpu.memory_space<hbm>>
      %dma_start3A_15 = tpu.memref_squeeze %dma_start3A_14 : memref<1x125x80xi32, #tpu.memory_space<hbm>> -> memref<125x80xi32, #tpu.memory_space<hbm>>
      %dma_start3A_16 = arith.constant 0 : i32
      %dma_start3A_17 = arith.constant 0 : i32
      %dma_start3A_18 = tpu.memref_slice %arg4[%add3A, %dma_start3A_16, %dma_start3A_17] : memref<32x125x80xi32, #tpu.memory_space<hbm>> -> memref<1x125x80xi32, #tpu.memory_space<hbm>>
      %dma_start3A_19 = tpu.memref_squeeze %dma_start3A_18 : memref<1x125x80xi32, #tpu.memory_space<hbm>> -> memref<125x80xi32, #tpu.memory_space<hbm>>
      tpu.enqueue_dma source(%dma_start3A_19 : memref<125x80xi32, #tpu.memory_space<hbm>>) target(%arg8 : memref<125x80xi32, #tpu.memory_space<vmem>>) target_semaphore(%run_scoped3A : memref<!tpu.dma_semaphore, #tpu.memory_space<semaphore_mem>>)
      %dma_wait3A = arith.constant 0 : i32
      %dma_wait3A_20 = arith.constant 0 : i32
      %dma_wait3A_21 = tpu.memref_slice %arg4[%add3A, %dma_wait3A, %dma_wait3A_20] : memref<32x125x80xi32, #tpu.memory_space<hbm>> -> memref<1x125x80xi32, #tpu.memory_space<hbm>>
      %dma_wait3A_22 = tpu.memref_squeeze %dma_wait3A_21 : memref<1x125x80xi32, #tpu.memory_space<hbm>> -> memref<125x80xi32, #tpu.memory_space<hbm>>
      %dma_wait3A_23 = arith.constant 0 : i32
      %dma_wait3A_24 = arith.constant 0 : i32
      %dma_wait3A_25 = tpu.memref_slice %arg4[%add3A, %dma_wait3A_23, %dma_wait3A_24] : memref<32x125x80xi32, #tpu.memory_space<hbm>> -> memref<1x125x80xi32, #tpu.memory_space<hbm>>
      %dma_wait3A_26 = tpu.memref_squeeze %dma_wait3A_25 : memref<1x125x80xi32, #tpu.memory_space<hbm>> -> memref<125x80xi32, #tpu.memory_space<hbm>>
      tpu.wait_dma2 semaphore(%run_scoped3A : memref<!tpu.dma_semaphore, #tpu.memory_space<semaphore_mem>>) src(%dma_wait3A_26 : memref<125x80xi32, #tpu.memory_space<hbm>>) dst(%arg8 : memref<125x80xi32, #tpu.memory_space<vmem>>)
      tpu.yield
    }) : () -> ()
    %barrier3A = arith.constant 0 : index
    tpu.barrier barrier_id(%barrier3A)
    %scan3A = arith.constant 0 : i32
    %scan3A_3 = arith.constant 0 : i32
    %scan3A_4 = arith.constant 125 : i32
    %scan3A_5 = arith.addi %scan3A_3, %scan3A_4 : i32
    %scan3A_6 = arith.constant 1 : i32
    scf.for %scan3A_13 = %scan3A_3 to %scan3A_5 step %scan3A_6  : i32 {
      %dma_start3A = arith.constant 0 : i32
      %dma_start3A_14 = tpu.memref_slice %arg7[%scan3A_13, %dma_start3A] : memref<125x80xi32, #tpu.memory_space<vmem>> -> memref<1x80xi32, #tpu.memory_space<vmem>>
      %dma_start3A_15 = tpu.memref_squeeze %dma_start3A_14 : memref<1x80xi32, #tpu.memory_space<vmem>> -> memref<80xi32, #tpu.memory_space<vmem>>
      %dma_start3A_16 = arith.constant 0 : i32
      %dma_start3A_17 = arith.constant 0 : i32
      %dma_start3A_18 = tpu.memref_slice %arg2[%dma_start3A_16, %dma_start3A_17] : memref<10000x128xf32, #tpu.memory_space<hbm>> -> memref<10000x128xf32, #tpu.memory_space<hbm>>
      tpu.enqueue_indirect_dma source(%dma_start3A_18 : memref<10000x128xf32, #tpu.memory_space<hbm>>) target(%arg9 : memref<80x128xf32, #tpu.memory_space<vmem>>) offsets(%dma_start3A_15 : memref<80xi32, #tpu.memory_space<vmem>>) semaphore(%arg11 : memref<!tpu.dma_semaphore, #tpu.memory_space<semaphore_mem>>)
      %dma_wait3A = arith.constant 0 : i32
      %dma_wait3A_19 = tpu.memref_slice %arg7[%scan3A_13, %dma_wait3A] : memref<125x80xi32, #tpu.memory_space<vmem>> -> memref<1x80xi32, #tpu.memory_space<vmem>>
      %dma_wait3A_20 = tpu.memref_squeeze %dma_wait3A_19 : memref<1x80xi32, #tpu.memory_space<vmem>> -> memref<80xi32, #tpu.memory_space<vmem>>
      %dma_wait3A_21 = arith.constant 0 : i32
      %dma_wait3A_22 = arith.constant 0 : i32
      %dma_wait3A_23 = tpu.memref_slice %arg2[%dma_wait3A_21, %dma_wait3A_22] : memref<10000x128xf32, #tpu.memory_space<hbm>> -> memref<10000x128xf32, #tpu.memory_space<hbm>>
      tpu.wait_indirect_dma semaphore(%arg11 : memref<!tpu.dma_semaphore, #tpu.memory_space<semaphore_mem>>) src(%dma_wait3A_23 : memref<10000x128xf32, #tpu.memory_space<hbm>>) dst(%arg9 : memref<80x128xf32, #tpu.memory_space<vmem>>)
      "tpu.region"() ({
        %run_scoped3A = tpu.sem_alloc : memref<!tpu.dma_semaphore, #tpu.memory_space<semaphore_mem>>
        %dma_start3A_24 = arith.constant 0 : i32
        %dma_start3A_25 = tpu.memref_slice %arg8[%scan3A_13, %dma_start3A_24] : memref<125x80xi32, #tpu.memory_space<vmem>> -> memref<1x80xi32, #tpu.memory_space<vmem>>
        %dma_start3A_26 = tpu.memref_squeeze %dma_start3A_25 : memref<1x80xi32, #tpu.memory_space<vmem>> -> memref<80xi32, #tpu.memory_space<vmem>>
        %dma_start3A_27 = arith.constant 0 : i32
        %dma_start3A_28 = arith.constant 0 : i32
        %dma_start3A_29 = tpu.memref_slice %arg10[%dma_start3A_27, %dma_start3A_28] : memref<10112x128xf32, #tpu.memory_space<vmem_shared>> -> memref<10112x128xf32, #tpu.memory_space<vmem_shared>>
        tpu.enqueue_indirect_dma source(%arg9 : memref<80x128xf32, #tpu.memory_space<vmem>>) target(%dma_start3A_29 : memref<10112x128xf32, #tpu.memory_space<vmem_shared>>) offsets(%dma_start3A_26 : memref<80xi32, #tpu.memory_space<vmem>>) semaphore(%run_scoped3A : memref<!tpu.dma_semaphore, #tpu.memory_space<semaphore_mem>>) {add = true}
        %dma_wait3A_30 = arith.constant 0 : i32
        %dma_wait3A_31 = tpu.memref_slice %arg8[%scan3A_13, %dma_wait3A_30] : memref<125x80xi32, #tpu.memory_space<vmem>> -> memref<1x80xi32, #tpu.memory_space<vmem>>
        %dma_wait3A_32 = tpu.memref_squeeze %dma_wait3A_31 : memref<1x80xi32, #tpu.memory_space<vmem>> -> memref<80xi32, #tpu.memory_space<vmem>>
        %dma_wait3A_33 = arith.constant 0 : i32
        %dma_wait3A_34 = arith.constant 0 : i32
        %dma_wait3A_35 = tpu.memref_slice %arg10[%dma_wait3A_33, %dma_wait3A_34] : memref<10112x128xf32, #tpu.memory_space<vmem_shared>> -> memref<10112x128xf32, #tpu.memory_space<vmem_shared>>
        tpu.wait_indirect_dma semaphore(%run_scoped3A : memref<!tpu.dma_semaphore, #tpu.memory_space<semaphore_mem>>) src(%arg9 : memref<80x128xf32, #tpu.memory_space<vmem>>) dst(%dma_wait3A_35 : memref<10112x128xf32, #tpu.memory_space<vmem_shared>>)
        tpu.yield
      }) : () -> ()
    }
    %scan3A_7 = arith.constant 125 : i32
    %barrier3A_8 = arith.constant 0 : index
    tpu.barrier barrier_id(%barrier3A_8)
    %mul3A_9 = arith.constant 632 : i32
    %mul3A_10 = arith.muli %arg1, %mul3A_9 : i32
    %mul3A_11 = arith.constant 632 : i32
    %mul3A_12 = arith.muli %arg1, %mul3A_11 : i32
    "tpu.region"() ({
      %run_scoped3A = tpu.sem_alloc : memref<!tpu.dma_semaphore, #tpu.memory_space<semaphore_mem>>
      %dma_start3A = arith.constant 0 : i32
      %dma_start3A_13 = arith.constant 0 : i32
      %dma_start3A_14 = tpu.memref_slice %arg6[%arg0, %dma_start3A, %dma_start3A_13] : memref<2x10112x128xf32, #tpu.memory_space<hbm>> -> memref<1x10112x128xf32, #tpu.memory_space<hbm>>
      %dma_start3A_15 = tpu.memref_squeeze %dma_start3A_14 : memref<1x10112x128xf32, #tpu.memory_space<hbm>> -> memref<10112x128xf32, #tpu.memory_space<hbm>>
      %dma_start3A_16 = arith.constant 0 : i32
      %dma_start3A_17 = tpu.memref_slice %dma_start3A_15[%mul3A_12, %dma_start3A_16] : memref<10112x128xf32, #tpu.memory_space<hbm>> -> memref<632x128xf32, #tpu.memory_space<hbm>>
      %dma_start3A_18 = arith.constant 0 : i32
      %dma_start3A_19 = tpu.memref_slice %arg10[%mul3A_10, %dma_start3A_18] : memref<10112x128xf32, #tpu.memory_space<vmem_shared>> -> memref<632x128xf32, #tpu.memory_space<vmem_shared>>
      tpu.enqueue_dma source(%dma_start3A_19 : memref<632x128xf32, #tpu.memory_space<vmem_shared>>) target(%dma_start3A_17 : memref<632x128xf32, #tpu.memory_space<hbm>>) target_semaphore(%run_scoped3A : memref<!tpu.dma_semaphore, #tpu.memory_space<semaphore_mem>>)
      %dma_wait3A = arith.constant 0 : i32
      %dma_wait3A_20 = arith.constant 0 : i32
      %dma_wait3A_21 = tpu.memref_slice %arg6[%arg0, %dma_wait3A, %dma_wait3A_20] : memref<2x10112x128xf32, #tpu.memory_space<hbm>> -> memref<1x10112x128xf32, #tpu.memory_space<hbm>>
      %dma_wait3A_22 = tpu.memref_squeeze %dma_wait3A_21 : memref<1x10112x128xf32, #tpu.memory_space<hbm>> -> memref<10112x128xf32, #tpu.memory_space<hbm>>
      %dma_wait3A_23 = arith.constant 0 : i32
      %dma_wait3A_24 = tpu.memref_slice %dma_wait3A_22[%mul3A_12, %dma_wait3A_23] : memref<10112x128xf32, #tpu.memory_space<hbm>> -> memref<632x128xf32, #tpu.memory_space<hbm>>
      %dma_wait3A_25 = arith.constant 0 : i32
      %dma_wait3A_26 = tpu.memref_slice %arg10[%mul3A_10, %dma_wait3A_25] : memref<10112x128xf32, #tpu.memory_space<vmem_shared>> -> memref<632x128xf32, #tpu.memory_space<vmem_shared>>
      tpu.wait_dma2 semaphore(%run_scoped3A : memref<!tpu.dma_semaphore, #tpu.memory_space<semaphore_mem>>) src(%dma_wait3A_26 : memref<632x128xf32, #tpu.memory_space<vmem_shared>>) dst(%dma_wait3A_24 : memref<632x128xf32, #tpu.memory_space<hbm>>)
      tpu.yield
    }) : () -> ()
    return
  }
}

#map = affine_map<(d0, d1) -> (0, 0)>
#map1 = affine_map<(d0, d1) -> (0, 0, 0)>
module attributes {stable_mosaic.version = 14 : i64} {
  func.func @_segsum_body(%arg0: i32, %arg1: i32, %arg2: memref<10000x128xf32, #tpu.memory_space<hbm>>, %arg3: memref<32x125x80xi32, #tpu.memory_space<hbm>>, %arg4: memref<32x125x80xi32, #tpu.memory_space<hbm>>, %arg5: memref<632x128xf32, #tpu.memory_space<hbm>>, %arg6: memref<2x10112x128xf32, #tpu.memory_space<hbm>>, %arg7: memref<125x80xi32, #tpu.memory_space<vmem>>, %arg8: memref<125x80xi32, #tpu.memory_space<vmem>>, %arg9: memref<80x128xf32, #tpu.memory_space<vmem>>, %arg10: memref<10112x128xf32, #tpu.memory_space<vmem_shared>>, %arg11: memref<!tpu.dma_semaphore, #tpu.memory_space<semaphore_mem>>) attributes {dimension_semantics = [#tpu.dimension_semantics<core_parallel>, #tpu.dimension_semantics<subcore_parallel>], iteration_bounds = array<i64: 2, 16>, scalar_prefetch = 0 : i64, scratch_operands = 5 : i64, tpu.core_type = #tpu.core_type<sc_vector_subcore>, window_params = [{transform_indices = #map}, {transform_indices = #map1}, {transform_indices = #map1}, {transform_indices = #map}, {transform_indices = #map1}]} {
    %mul3A = arith.constant 16 : i32
    %mul3A_0 = arith.muli %arg0, %mul3A : i32
    %add3A = arith.addi %mul3A_0, %arg1 : i32
    %mul3A_1 = arith.constant 632 : i32
    %mul3A_2 = arith.muli %arg1, %mul3A_1 : i32
    "tpu.region"() ({
      %run_scoped3A = tpu.sem_alloc : memref<!tpu.dma_semaphore, #tpu.memory_space<semaphore_mem>>
      %dma_start3A = arith.constant 0 : i32
      %dma_start3A_13 = tpu.memref_slice %arg10[%mul3A_2, %dma_start3A] : memref<10112x128xf32, #tpu.memory_space<vmem_shared>> -> memref<632x128xf32, #tpu.memory_space<vmem_shared>>
      tpu.enqueue_dma source(%arg5 : memref<632x128xf32, #tpu.memory_space<hbm>>) target(%dma_start3A_13 : memref<632x128xf32, #tpu.memory_space<vmem_shared>>) target_semaphore(%run_scoped3A : memref<!tpu.dma_semaphore, #tpu.memory_space<semaphore_mem>>)
      %dma_wait3A = arith.constant 0 : i32
      %dma_wait3A_14 = tpu.memref_slice %arg10[%mul3A_2, %dma_wait3A] : memref<10112x128xf32, #tpu.memory_space<vmem_shared>> -> memref<632x128xf32, #tpu.memory_space<vmem_shared>>
      tpu.wait_dma2 semaphore(%run_scoped3A : memref<!tpu.dma_semaphore, #tpu.memory_space<semaphore_mem>>) src(%arg5 : memref<632x128xf32, #tpu.memory_space<hbm>>) dst(%dma_wait3A_14 : memref<632x128xf32, #tpu.memory_space<vmem_shared>>)
      tpu.yield
    }) : () -> ()
    "tpu.region"() ({
      %run_scoped3A = tpu.sem_alloc : memref<!tpu.dma_semaphore, #tpu.memory_space<semaphore_mem>>
      %dma_start3A = arith.constant 0 : i32
      %dma_start3A_13 = arith.constant 0 : i32
      %dma_start3A_14 = tpu.memref_slice %arg3[%add3A, %dma_start3A, %dma_start3A_13] : memref<32x125x80xi32, #tpu.memory_space<hbm>> -> memref<1x125x80xi32, #tpu.memory_space<hbm>>
      %dma_start3A_15 = tpu.memref_squeeze %dma_start3A_14 : memref<1x125x80xi32, #tpu.memory_space<hbm>> -> memref<125x80xi32, #tpu.memory_space<hbm>>
      %dma_start3A_16 = arith.constant 0 : i32
      %dma_start3A_17 = arith.constant 0 : i32
      %dma_start3A_18 = tpu.memref_slice %arg3[%add3A, %dma_start3A_16, %dma_start3A_17] : memref<32x125x80xi32, #tpu.memory_space<hbm>> -> memref<1x125x80xi32, #tpu.memory_space<hbm>>
      %dma_start3A_19 = tpu.memref_squeeze %dma_start3A_18 : memref<1x125x80xi32, #tpu.memory_space<hbm>> -> memref<125x80xi32, #tpu.memory_space<hbm>>
      tpu.enqueue_dma source(%dma_start3A_19 : memref<125x80xi32, #tpu.memory_space<hbm>>) target(%arg7 : memref<125x80xi32, #tpu.memory_space<vmem>>) target_semaphore(%run_scoped3A : memref<!tpu.dma_semaphore, #tpu.memory_space<semaphore_mem>>)
      %dma_wait3A = arith.constant 0 : i32
      %dma_wait3A_20 = arith.constant 0 : i32
      %dma_wait3A_21 = tpu.memref_slice %arg3[%add3A, %dma_wait3A, %dma_wait3A_20] : memref<32x125x80xi32, #tpu.memory_space<hbm>> -> memref<1x125x80xi32, #tpu.memory_space<hbm>>
      %dma_wait3A_22 = tpu.memref_squeeze %dma_wait3A_21 : memref<1x125x80xi32, #tpu.memory_space<hbm>> -> memref<125x80xi32, #tpu.memory_space<hbm>>
      %dma_wait3A_23 = arith.constant 0 : i32
      %dma_wait3A_24 = arith.constant 0 : i32
      %dma_wait3A_25 = tpu.memref_slice %arg3[%add3A, %dma_wait3A_23, %dma_wait3A_24] : memref<32x125x80xi32, #tpu.memory_space<hbm>> -> memref<1x125x80xi32, #tpu.memory_space<hbm>>
      %dma_wait3A_26 = tpu.memref_squeeze %dma_wait3A_25 : memref<1x125x80xi32, #tpu.memory_space<hbm>> -> memref<125x80xi32, #tpu.memory_space<hbm>>
      tpu.wait_dma2 semaphore(%run_scoped3A : memref<!tpu.dma_semaphore, #tpu.memory_space<semaphore_mem>>) src(%dma_wait3A_26 : memref<125x80xi32, #tpu.memory_space<hbm>>) dst(%arg7 : memref<125x80xi32, #tpu.memory_space<vmem>>)
      tpu.yield
    }) : () -> ()
    "tpu.region"() ({
      %run_scoped3A = tpu.sem_alloc : memref<!tpu.dma_semaphore, #tpu.memory_space<semaphore_mem>>
      %dma_start3A = arith.constant 0 : i32
      %dma_start3A_13 = arith.constant 0 : i32
      %dma_start3A_14 = tpu.memref_slice %arg4[%add3A, %dma_start3A, %dma_start3A_13] : memref<32x125x80xi32, #tpu.memory_space<hbm>> -> memref<1x125x80xi32, #tpu.memory_space<hbm>>
      %dma_start3A_15 = tpu.memref_squeeze %dma_start3A_14 : memref<1x125x80xi32, #tpu.memory_space<hbm>> -> memref<125x80xi32, #tpu.memory_space<hbm>>
      %dma_start3A_16 = arith.constant 0 : i32
      %dma_start3A_17 = arith.constant 0 : i32
      %dma_start3A_18 = tpu.memref_slice %arg4[%add3A, %dma_start3A_16, %dma_start3A_17] : memref<32x125x80xi32, #tpu.memory_space<hbm>> -> memref<1x125x80xi32, #tpu.memory_space<hbm>>
      %dma_start3A_19 = tpu.memref_squeeze %dma_start3A_18 : memref<1x125x80xi32, #tpu.memory_space<hbm>> -> memref<125x80xi32, #tpu.memory_space<hbm>>
      tpu.enqueue_dma source(%dma_start3A_19 : memref<125x80xi32, #tpu.memory_space<hbm>>) target(%arg8 : memref<125x80xi32, #tpu.memory_space<vmem>>) target_semaphore(%run_scoped3A : memref<!tpu.dma_semaphore, #tpu.memory_space<semaphore_mem>>)
      %dma_wait3A = arith.constant 0 : i32
      %dma_wait3A_20 = arith.constant 0 : i32
      %dma_wait3A_21 = tpu.memref_slice %arg4[%add3A, %dma_wait3A, %dma_wait3A_20] : memref<32x125x80xi32, #tpu.memory_space<hbm>> -> memref<1x125x80xi32, #tpu.memory_space<hbm>>
      %dma_wait3A_22 = tpu.memref_squeeze %dma_wait3A_21 : memref<1x125x80xi32, #tpu.memory_space<hbm>> -> memref<125x80xi32, #tpu.memory_space<hbm>>
      %dma_wait3A_23 = arith.constant 0 : i32
      %dma_wait3A_24 = arith.constant 0 : i32
      %dma_wait3A_25 = tpu.memref_slice %arg4[%add3A, %dma_wait3A_23, %dma_wait3A_24] : memref<32x125x80xi32, #tpu.memory_space<hbm>> -> memref<1x125x80xi32, #tpu.memory_space<hbm>>
      %dma_wait3A_26 = tpu.memref_squeeze %dma_wait3A_25 : memref<1x125x80xi32, #tpu.memory_space<hbm>> -> memref<125x80xi32, #tpu.memory_space<hbm>>
      tpu.wait_dma2 semaphore(%run_scoped3A : memref<!tpu.dma_semaphore, #tpu.memory_space<semaphore_mem>>) src(%dma_wait3A_26 : memref<125x80xi32, #tpu.memory_space<hbm>>) dst(%arg8 : memref<125x80xi32, #tpu.memory_space<vmem>>)
      tpu.yield
    }) : () -> ()
    %barrier3A = arith.constant 0 : index
    tpu.barrier barrier_id(%barrier3A)
    %scan3A = arith.constant 0 : i32
    %scan3A_3 = arith.constant 0 : i32
    %scan3A_4 = arith.constant 125 : i32
    %scan3A_5 = arith.addi %scan3A_3, %scan3A_4 : i32
    %scan3A_6 = arith.constant 1 : i32
    scf.for %scan3A_13 = %scan3A_3 to %scan3A_5 step %scan3A_6  : i32 {
      %dma_start3A = arith.constant 0 : i32
      %dma_start3A_14 = tpu.memref_slice %arg7[%scan3A_13, %dma_start3A] : memref<125x80xi32, #tpu.memory_space<vmem>> -> memref<1x80xi32, #tpu.memory_space<vmem>>
      %dma_start3A_15 = tpu.memref_squeeze %dma_start3A_14 : memref<1x80xi32, #tpu.memory_space<vmem>> -> memref<80xi32, #tpu.memory_space<vmem>>
      %dma_start3A_16 = arith.constant 0 : i32
      %dma_start3A_17 = arith.constant 0 : i32
      %dma_start3A_18 = tpu.memref_slice %arg2[%dma_start3A_16, %dma_start3A_17] : memref<10000x128xf32, #tpu.memory_space<hbm>> -> memref<10000x128xf32, #tpu.memory_space<hbm>>
      tpu.enqueue_indirect_dma source(%dma_start3A_18 : memref<10000x128xf32, #tpu.memory_space<hbm>>) target(%arg9 : memref<80x128xf32, #tpu.memory_space<vmem>>) offsets(%dma_start3A_15 : memref<80xi32, #tpu.memory_space<vmem>>) semaphore(%arg11 : memref<!tpu.dma_semaphore, #tpu.memory_space<semaphore_mem>>)
      %dma_wait3A = arith.constant 0 : i32
      %dma_wait3A_19 = tpu.memref_slice %arg7[%scan3A_13, %dma_wait3A] : memref<125x80xi32, #tpu.memory_space<vmem>> -> memref<1x80xi32, #tpu.memory_space<vmem>>
      %dma_wait3A_20 = tpu.memref_squeeze %dma_wait3A_19 : memref<1x80xi32, #tpu.memory_space<vmem>> -> memref<80xi32, #tpu.memory_space<vmem>>
      %dma_wait3A_21 = arith.constant 0 : i32
      %dma_wait3A_22 = arith.constant 0 : i32
      %dma_wait3A_23 = tpu.memref_slice %arg2[%dma_wait3A_21, %dma_wait3A_22] : memref<10000x128xf32, #tpu.memory_space<hbm>> -> memref<10000x128xf32, #tpu.memory_space<hbm>>
      tpu.wait_indirect_dma semaphore(%arg11 : memref<!tpu.dma_semaphore, #tpu.memory_space<semaphore_mem>>) src(%dma_wait3A_23 : memref<10000x128xf32, #tpu.memory_space<hbm>>) dst(%arg9 : memref<80x128xf32, #tpu.memory_space<vmem>>)
      "tpu.region"() ({
        %run_scoped3A = tpu.sem_alloc : memref<!tpu.dma_semaphore, #tpu.memory_space<semaphore_mem>>
        %dma_start3A_24 = arith.constant 0 : i32
        %dma_start3A_25 = tpu.memref_slice %arg8[%scan3A_13, %dma_start3A_24] : memref<125x80xi32, #tpu.memory_space<vmem>> -> memref<1x80xi32, #tpu.memory_space<vmem>>
        %dma_start3A_26 = tpu.memref_squeeze %dma_start3A_25 : memref<1x80xi32, #tpu.memory_space<vmem>> -> memref<80xi32, #tpu.memory_space<vmem>>
        %dma_start3A_27 = arith.constant 0 : i32
        %dma_start3A_28 = arith.constant 0 : i32
        %dma_start3A_29 = tpu.memref_slice %arg10[%dma_start3A_27, %dma_start3A_28] : memref<10112x128xf32, #tpu.memory_space<vmem_shared>> -> memref<10112x128xf32, #tpu.memory_space<vmem_shared>>
        tpu.enqueue_indirect_dma source(%arg9 : memref<80x128xf32, #tpu.memory_space<vmem>>) target(%dma_start3A_29 : memref<10112x128xf32, #tpu.memory_space<vmem_shared>>) offsets(%dma_start3A_26 : memref<80xi32, #tpu.memory_space<vmem>>) semaphore(%run_scoped3A : memref<!tpu.dma_semaphore, #tpu.memory_space<semaphore_mem>>) {add = true}
        %dma_wait3A_30 = arith.constant 0 : i32
        %dma_wait3A_31 = tpu.memref_slice %arg8[%scan3A_13, %dma_wait3A_30] : memref<125x80xi32, #tpu.memory_space<vmem>> -> memref<1x80xi32, #tpu.memory_space<vmem>>
        %dma_wait3A_32 = tpu.memref_squeeze %dma_wait3A_31 : memref<1x80xi32, #tpu.memory_space<vmem>> -> memref<80xi32, #tpu.memory_space<vmem>>
        %dma_wait3A_33 = arith.constant 0 : i32
        %dma_wait3A_34 = arith.constant 0 : i32
        %dma_wait3A_35 = tpu.memref_slice %arg10[%dma_wait3A_33, %dma_wait3A_34] : memref<10112x128xf32, #tpu.memory_space<vmem_shared>> -> memref<10112x128xf32, #tpu.memory_space<vmem_shared>>
        tpu.wait_indirect_dma semaphore(%run_scoped3A : memref<!tpu.dma_semaphore, #tpu.memory_space<semaphore_mem>>) src(%arg9 : memref<80x128xf32, #tpu.memory_space<vmem>>) dst(%dma_wait3A_35 : memref<10112x128xf32, #tpu.memory_space<vmem_shared>>)
        tpu.yield
      }) : () -> ()
    }
    %scan3A_7 = arith.constant 125 : i32
    %barrier3A_8 = arith.constant 0 : index
    tpu.barrier barrier_id(%barrier3A_8)
    %mul3A_9 = arith.constant 632 : i32
    %mul3A_10 = arith.muli %arg1, %mul3A_9 : i32
    %mul3A_11 = arith.constant 632 : i32
    %mul3A_12 = arith.muli %arg1, %mul3A_11 : i32
    "tpu.region"() ({
      %run_scoped3A = tpu.sem_alloc : memref<!tpu.dma_semaphore, #tpu.memory_space<semaphore_mem>>
      %dma_start3A = arith.constant 0 : i32
      %dma_start3A_13 = arith.constant 0 : i32
      %dma_start3A_14 = tpu.memref_slice %arg6[%arg0, %dma_start3A, %dma_start3A_13] : memref<2x10112x128xf32, #tpu.memory_space<hbm>> -> memref<1x10112x128xf32, #tpu.memory_space<hbm>>
      %dma_start3A_15 = tpu.memref_squeeze %dma_start3A_14 : memref<1x10112x128xf32, #tpu.memory_space<hbm>> -> memref<10112x128xf32, #tpu.memory_space<hbm>>
      %dma_start3A_16 = arith.constant 0 : i32
      %dma_start3A_17 = tpu.memref_slice %dma_start3A_15[%mul3A_12, %dma_start3A_16] : memref<10112x128xf32, #tpu.memory_space<hbm>> -> memref<632x128xf32, #tpu.memory_space<hbm>>
      %dma_start3A_18 = arith.constant 0 : i32
      %dma_start3A_19 = tpu.memref_slice %arg10[%mul3A_10, %dma_start3A_18] : memref<10112x128xf32, #tpu.memory_space<vmem_shared>> -> memref<632x128xf32, #tpu.memory_space<vmem_shared>>
      tpu.enqueue_dma source(%dma_start3A_19 : memref<632x128xf32, #tpu.memory_space<vmem_shared>>) target(%dma_start3A_17 : memref<632x128xf32, #tpu.memory_space<hbm>>) target_semaphore(%run_scoped3A : memref<!tpu.dma_semaphore, #tpu.memory_space<semaphore_mem>>)
      %dma_wait3A = arith.constant 0 : i32
      %dma_wait3A_20 = arith.constant 0 : i32
      %dma_wait3A_21 = tpu.memref_slice %arg6[%arg0, %dma_wait3A, %dma_wait3A_20] : memref<2x10112x128xf32, #tpu.memory_space<hbm>> -> memref<1x10112x128xf32, #tpu.memory_space<hbm>>
      %dma_wait3A_22 = tpu.memref_squeeze %dma_wait3A_21 : memref<1x10112x128xf32, #tpu.memory_space<hbm>> -> memref<10112x128xf32, #tpu.memory_space<hbm>>
      %dma_wait3A_23 = arith.constant 0 : i32
      %dma_wait3A_24 = tpu.memref_slice %dma_wait3A_22[%mul3A_12, %dma_wait3A_23] : memref<10112x128xf32, #tpu.memory_space<hbm>> -> memref<632x128xf32, #tpu.memory_space<hbm>>
      %dma_wait3A_25 = arith.constant 0 : i32
      %dma_wait3A_26 = tpu.memref_slice %arg10[%mul3A_10, %dma_wait3A_25] : memref<10112x128xf32, #tpu.memory_space<vmem_shared>> -> memref<632x128xf32, #tpu.memory_space<vmem_shared>>
      tpu.wait_dma2 semaphore(%run_scoped3A : memref<!tpu.dma_semaphore, #tpu.memory_space<semaphore_mem>>) src(%dma_wait3A_26 : memref<632x128xf32, #tpu.memory_space<vmem_shared>>) dst(%dma_wait3A_24 : memref<632x128xf32, #tpu.memory_space<hbm>>)
      tpu.yield
    }) : () -> ()
    return
  }
}

#map = affine_map<(d0, d1) -> (0, 0)>
#map1 = affine_map<(d0, d1) -> (0, 0, 0)>
module attributes {stable_mosaic.version = 14 : i64} {
  func.func @_segsum_body(%arg0: i32, %arg1: i32, %arg2: memref<10000x128xf32, #tpu.memory_space<hbm>>, %arg3: memref<32x125x80xi32, #tpu.memory_space<hbm>>, %arg4: memref<32x125x80xi32, #tpu.memory_space<hbm>>, %arg5: memref<632x128xf32, #tpu.memory_space<hbm>>, %arg6: memref<2x10112x128xf32, #tpu.memory_space<hbm>>, %arg7: memref<125x80xi32, #tpu.memory_space<vmem>>, %arg8: memref<125x80xi32, #tpu.memory_space<vmem>>, %arg9: memref<80x128xf32, #tpu.memory_space<vmem>>, %arg10: memref<10112x128xf32, #tpu.memory_space<vmem_shared>>, %arg11: memref<!tpu.dma_semaphore, #tpu.memory_space<semaphore_mem>>) attributes {dimension_semantics = [#tpu.dimension_semantics<core_parallel>, #tpu.dimension_semantics<subcore_parallel>], iteration_bounds = array<i64: 2, 16>, scalar_prefetch = 0 : i64, scratch_operands = 5 : i64, tpu.core_type = #tpu.core_type<sc_vector_subcore>, window_params = [{transform_indices = #map}, {transform_indices = #map1}, {transform_indices = #map1}, {transform_indices = #map}, {transform_indices = #map1}]} {
    %mul3A = arith.constant 16 : i32
    %mul3A_0 = arith.muli %arg0, %mul3A : i32
    %add3A = arith.addi %mul3A_0, %arg1 : i32
    %mul3A_1 = arith.constant 632 : i32
    %mul3A_2 = arith.muli %arg1, %mul3A_1 : i32
    "tpu.region"() ({
      %run_scoped3A = tpu.sem_alloc : memref<!tpu.dma_semaphore, #tpu.memory_space<semaphore_mem>>
      %dma_start3A = arith.constant 0 : i32
      %dma_start3A_13 = tpu.memref_slice %arg10[%mul3A_2, %dma_start3A] : memref<10112x128xf32, #tpu.memory_space<vmem_shared>> -> memref<632x128xf32, #tpu.memory_space<vmem_shared>>
      tpu.enqueue_dma source(%arg5 : memref<632x128xf32, #tpu.memory_space<hbm>>) target(%dma_start3A_13 : memref<632x128xf32, #tpu.memory_space<vmem_shared>>) target_semaphore(%run_scoped3A : memref<!tpu.dma_semaphore, #tpu.memory_space<semaphore_mem>>)
      %dma_wait3A = arith.constant 0 : i32
      %dma_wait3A_14 = tpu.memref_slice %arg10[%mul3A_2, %dma_wait3A] : memref<10112x128xf32, #tpu.memory_space<vmem_shared>> -> memref<632x128xf32, #tpu.memory_space<vmem_shared>>
      tpu.wait_dma2 semaphore(%run_scoped3A : memref<!tpu.dma_semaphore, #tpu.memory_space<semaphore_mem>>) src(%arg5 : memref<632x128xf32, #tpu.memory_space<hbm>>) dst(%dma_wait3A_14 : memref<632x128xf32, #tpu.memory_space<vmem_shared>>)
      tpu.yield
    }) : () -> ()
    "tpu.region"() ({
      %run_scoped3A = tpu.sem_alloc : memref<!tpu.dma_semaphore, #tpu.memory_space<semaphore_mem>>
      %dma_start3A = arith.constant 0 : i32
      %dma_start3A_13 = arith.constant 0 : i32
      %dma_start3A_14 = tpu.memref_slice %arg3[%add3A, %dma_start3A, %dma_start3A_13] : memref<32x125x80xi32, #tpu.memory_space<hbm>> -> memref<1x125x80xi32, #tpu.memory_space<hbm>>
      %dma_start3A_15 = tpu.memref_squeeze %dma_start3A_14 : memref<1x125x80xi32, #tpu.memory_space<hbm>> -> memref<125x80xi32, #tpu.memory_space<hbm>>
      %dma_start3A_16 = arith.constant 0 : i32
      %dma_start3A_17 = arith.constant 0 : i32
      %dma_start3A_18 = tpu.memref_slice %arg3[%add3A, %dma_start3A_16, %dma_start3A_17] : memref<32x125x80xi32, #tpu.memory_space<hbm>> -> memref<1x125x80xi32, #tpu.memory_space<hbm>>
      %dma_start3A_19 = tpu.memref_squeeze %dma_start3A_18 : memref<1x125x80xi32, #tpu.memory_space<hbm>> -> memref<125x80xi32, #tpu.memory_space<hbm>>
      tpu.enqueue_dma source(%dma_start3A_19 : memref<125x80xi32, #tpu.memory_space<hbm>>) target(%arg7 : memref<125x80xi32, #tpu.memory_space<vmem>>) target_semaphore(%run_scoped3A : memref<!tpu.dma_semaphore, #tpu.memory_space<semaphore_mem>>)
      %dma_wait3A = arith.constant 0 : i32
      %dma_wait3A_20 = arith.constant 0 : i32
      %dma_wait3A_21 = tpu.memref_slice %arg3[%add3A, %dma_wait3A, %dma_wait3A_20] : memref<32x125x80xi32, #tpu.memory_space<hbm>> -> memref<1x125x80xi32, #tpu.memory_space<hbm>>
      %dma_wait3A_22 = tpu.memref_squeeze %dma_wait3A_21 : memref<1x125x80xi32, #tpu.memory_space<hbm>> -> memref<125x80xi32, #tpu.memory_space<hbm>>
      %dma_wait3A_23 = arith.constant 0 : i32
      %dma_wait3A_24 = arith.constant 0 : i32
      %dma_wait3A_25 = tpu.memref_slice %arg3[%add3A, %dma_wait3A_23, %dma_wait3A_24] : memref<32x125x80xi32, #tpu.memory_space<hbm>> -> memref<1x125x80xi32, #tpu.memory_space<hbm>>
      %dma_wait3A_26 = tpu.memref_squeeze %dma_wait3A_25 : memref<1x125x80xi32, #tpu.memory_space<hbm>> -> memref<125x80xi32, #tpu.memory_space<hbm>>
      tpu.wait_dma2 semaphore(%run_scoped3A : memref<!tpu.dma_semaphore, #tpu.memory_space<semaphore_mem>>) src(%dma_wait3A_26 : memref<125x80xi32, #tpu.memory_space<hbm>>) dst(%arg7 : memref<125x80xi32, #tpu.memory_space<vmem>>)
      tpu.yield
    }) : () -> ()
    "tpu.region"() ({
      %run_scoped3A = tpu.sem_alloc : memref<!tpu.dma_semaphore, #tpu.memory_space<semaphore_mem>>
      %dma_start3A = arith.constant 0 : i32
      %dma_start3A_13 = arith.constant 0 : i32
      %dma_start3A_14 = tpu.memref_slice %arg4[%add3A, %dma_start3A, %dma_start3A_13] : memref<32x125x80xi32, #tpu.memory_space<hbm>> -> memref<1x125x80xi32, #tpu.memory_space<hbm>>
      %dma_start3A_15 = tpu.memref_squeeze %dma_start3A_14 : memref<1x125x80xi32, #tpu.memory_space<hbm>> -> memref<125x80xi32, #tpu.memory_space<hbm>>
      %dma_start3A_16 = arith.constant 0 : i32
      %dma_start3A_17 = arith.constant 0 : i32
      %dma_start3A_18 = tpu.memref_slice %arg4[%add3A, %dma_start3A_16, %dma_start3A_17] : memref<32x125x80xi32, #tpu.memory_space<hbm>> -> memref<1x125x80xi32, #tpu.memory_space<hbm>>
      %dma_start3A_19 = tpu.memref_squeeze %dma_start3A_18 : memref<1x125x80xi32, #tpu.memory_space<hbm>> -> memref<125x80xi32, #tpu.memory_space<hbm>>
      tpu.enqueue_dma source(%dma_start3A_19 : memref<125x80xi32, #tpu.memory_space<hbm>>) target(%arg8 : memref<125x80xi32, #tpu.memory_space<vmem>>) target_semaphore(%run_scoped3A : memref<!tpu.dma_semaphore, #tpu.memory_space<semaphore_mem>>)
      %dma_wait3A = arith.constant 0 : i32
      %dma_wait3A_20 = arith.constant 0 : i32
      %dma_wait3A_21 = tpu.memref_slice %arg4[%add3A, %dma_wait3A, %dma_wait3A_20] : memref<32x125x80xi32, #tpu.memory_space<hbm>> -> memref<1x125x80xi32, #tpu.memory_space<hbm>>
      %dma_wait3A_22 = tpu.memref_squeeze %dma_wait3A_21 : memref<1x125x80xi32, #tpu.memory_space<hbm>> -> memref<125x80xi32, #tpu.memory_space<hbm>>
      %dma_wait3A_23 = arith.constant 0 : i32
      %dma_wait3A_24 = arith.constant 0 : i32
      %dma_wait3A_25 = tpu.memref_slice %arg4[%add3A, %dma_wait3A_23, %dma_wait3A_24] : memref<32x125x80xi32, #tpu.memory_space<hbm>> -> memref<1x125x80xi32, #tpu.memory_space<hbm>>
      %dma_wait3A_26 = tpu.memref_squeeze %dma_wait3A_25 : memref<1x125x80xi32, #tpu.memory_space<hbm>> -> memref<125x80xi32, #tpu.memory_space<hbm>>
      tpu.wait_dma2 semaphore(%run_scoped3A : memref<!tpu.dma_semaphore, #tpu.memory_space<semaphore_mem>>) src(%dma_wait3A_26 : memref<125x80xi32, #tpu.memory_space<hbm>>) dst(%arg8 : memref<125x80xi32, #tpu.memory_space<vmem>>)
      tpu.yield
    }) : () -> ()
    %barrier3A = arith.constant 0 : index
    tpu.barrier barrier_id(%barrier3A)
    %scan3A = arith.constant 0 : i32
    %scan3A_3 = arith.constant 0 : i32
    %scan3A_4 = arith.constant 125 : i32
    %scan3A_5 = arith.addi %scan3A_3, %scan3A_4 : i32
    %scan3A_6 = arith.constant 1 : i32
    scf.for %scan3A_13 = %scan3A_3 to %scan3A_5 step %scan3A_6  : i32 {
      %dma_start3A = arith.constant 0 : i32
      %dma_start3A_14 = tpu.memref_slice %arg7[%scan3A_13, %dma_start3A] : memref<125x80xi32, #tpu.memory_space<vmem>> -> memref<1x80xi32, #tpu.memory_space<vmem>>
      %dma_start3A_15 = tpu.memref_squeeze %dma_start3A_14 : memref<1x80xi32, #tpu.memory_space<vmem>> -> memref<80xi32, #tpu.memory_space<vmem>>
      %dma_start3A_16 = arith.constant 0 : i32
      %dma_start3A_17 = arith.constant 0 : i32
      %dma_start3A_18 = tpu.memref_slice %arg2[%dma_start3A_16, %dma_start3A_17] : memref<10000x128xf32, #tpu.memory_space<hbm>> -> memref<10000x128xf32, #tpu.memory_space<hbm>>
      tpu.enqueue_indirect_dma source(%dma_start3A_18 : memref<10000x128xf32, #tpu.memory_space<hbm>>) target(%arg9 : memref<80x128xf32, #tpu.memory_space<vmem>>) offsets(%dma_start3A_15 : memref<80xi32, #tpu.memory_space<vmem>>) semaphore(%arg11 : memref<!tpu.dma_semaphore, #tpu.memory_space<semaphore_mem>>)
      %dma_wait3A = arith.constant 0 : i32
      %dma_wait3A_19 = tpu.memref_slice %arg7[%scan3A_13, %dma_wait3A] : memref<125x80xi32, #tpu.memory_space<vmem>> -> memref<1x80xi32, #tpu.memory_space<vmem>>
      %dma_wait3A_20 = tpu.memref_squeeze %dma_wait3A_19 : memref<1x80xi32, #tpu.memory_space<vmem>> -> memref<80xi32, #tpu.memory_space<vmem>>
      %dma_wait3A_21 = arith.constant 0 : i32
      %dma_wait3A_22 = arith.constant 0 : i32
      %dma_wait3A_23 = tpu.memref_slice %arg2[%dma_wait3A_21, %dma_wait3A_22] : memref<10000x128xf32, #tpu.memory_space<hbm>> -> memref<10000x128xf32, #tpu.memory_space<hbm>>
      tpu.wait_indirect_dma semaphore(%arg11 : memref<!tpu.dma_semaphore, #tpu.memory_space<semaphore_mem>>) src(%dma_wait3A_23 : memref<10000x128xf32, #tpu.memory_space<hbm>>) dst(%arg9 : memref<80x128xf32, #tpu.memory_space<vmem>>)
      "tpu.region"() ({
        %run_scoped3A = tpu.sem_alloc : memref<!tpu.dma_semaphore, #tpu.memory_space<semaphore_mem>>
        %dma_start3A_24 = arith.constant 0 : i32
        %dma_start3A_25 = tpu.memref_slice %arg8[%scan3A_13, %dma_start3A_24] : memref<125x80xi32, #tpu.memory_space<vmem>> -> memref<1x80xi32, #tpu.memory_space<vmem>>
        %dma_start3A_26 = tpu.memref_squeeze %dma_start3A_25 : memref<1x80xi32, #tpu.memory_space<vmem>> -> memref<80xi32, #tpu.memory_space<vmem>>
        %dma_start3A_27 = arith.constant 0 : i32
        %dma_start3A_28 = arith.constant 0 : i32
        %dma_start3A_29 = tpu.memref_slice %arg10[%dma_start3A_27, %dma_start3A_28] : memref<10112x128xf32, #tpu.memory_space<vmem_shared>> -> memref<10112x128xf32, #tpu.memory_space<vmem_shared>>
        tpu.enqueue_indirect_dma source(%arg9 : memref<80x128xf32, #tpu.memory_space<vmem>>) target(%dma_start3A_29 : memref<10112x128xf32, #tpu.memory_space<vmem_shared>>) offsets(%dma_start3A_26 : memref<80xi32, #tpu.memory_space<vmem>>) semaphore(%run_scoped3A : memref<!tpu.dma_semaphore, #tpu.memory_space<semaphore_mem>>) {add = true}
        %dma_wait3A_30 = arith.constant 0 : i32
        %dma_wait3A_31 = tpu.memref_slice %arg8[%scan3A_13, %dma_wait3A_30] : memref<125x80xi32, #tpu.memory_space<vmem>> -> memref<1x80xi32, #tpu.memory_space<vmem>>
        %dma_wait3A_32 = tpu.memref_squeeze %dma_wait3A_31 : memref<1x80xi32, #tpu.memory_space<vmem>> -> memref<80xi32, #tpu.memory_space<vmem>>
        %dma_wait3A_33 = arith.constant 0 : i32
        %dma_wait3A_34 = arith.constant 0 : i32
        %dma_wait3A_35 = tpu.memref_slice %arg10[%dma_wait3A_33, %dma_wait3A_34] : memref<10112x128xf32, #tpu.memory_space<vmem_shared>> -> memref<10112x128xf32, #tpu.memory_space<vmem_shared>>
        tpu.wait_indirect_dma semaphore(%run_scoped3A : memref<!tpu.dma_semaphore, #tpu.memory_space<semaphore_mem>>) src(%arg9 : memref<80x128xf32, #tpu.memory_space<vmem>>) dst(%dma_wait3A_35 : memref<10112x128xf32, #tpu.memory_space<vmem_shared>>)
        tpu.yield
      }) : () -> ()
    }
    %scan3A_7 = arith.constant 125 : i32
    %barrier3A_8 = arith.constant 0 : index
    tpu.barrier barrier_id(%barrier3A_8)
    %mul3A_9 = arith.constant 632 : i32
    %mul3A_10 = arith.muli %arg1, %mul3A_9 : i32
    %mul3A_11 = arith.constant 632 : i32
    %mul3A_12 = arith.muli %arg1, %mul3A_11 : i32
    "tpu.region"() ({
      %run_scoped3A = tpu.sem_alloc : memref<!tpu.dma_semaphore, #tpu.memory_space<semaphore_mem>>
      %dma_start3A = arith.constant 0 : i32
      %dma_start3A_13 = arith.constant 0 : i32
      %dma_start3A_14 = tpu.memref_slice %arg6[%arg0, %dma_start3A, %dma_start3A_13] : memref<2x10112x128xf32, #tpu.memory_space<hbm>> -> memref<1x10112x128xf32, #tpu.memory_space<hbm>>
      %dma_start3A_15 = tpu.memref_squeeze %dma_start3A_14 : memref<1x10112x128xf32, #tpu.memory_space<hbm>> -> memref<10112x128xf32, #tpu.memory_space<hbm>>
      %dma_start3A_16 = arith.constant 0 : i32
      %dma_start3A_17 = tpu.memref_slice %dma_start3A_15[%mul3A_12, %dma_start3A_16] : memref<10112x128xf32, #tpu.memory_space<hbm>> -> memref<632x128xf32, #tpu.memory_space<hbm>>
      %dma_start3A_18 = arith.constant 0 : i32
      %dma_start3A_19 = tpu.memref_slice %arg10[%mul3A_10, %dma_start3A_18] : memref<10112x128xf32, #tpu.memory_space<vmem_shared>> -> memref<632x128xf32, #tpu.memory_space<vmem_shared>>
      tpu.enqueue_dma source(%dma_start3A_19 : memref<632x128xf32, #tpu.memory_space<vmem_shared>>) target(%dma_start3A_17 : memref<632x128xf32, #tpu.memory_space<hbm>>) target_semaphore(%run_scoped3A : memref<!tpu.dma_semaphore, #tpu.memory_space<semaphore_mem>>)
      %dma_wait3A = arith.constant 0 : i32
      %dma_wait3A_20 = arith.constant 0 : i32
      %dma_wait3A_21 = tpu.memref_slice %arg6[%arg0, %dma_wait3A, %dma_wait3A_20] : memref<2x10112x128xf32, #tpu.memory_space<hbm>> -> memref<1x10112x128xf32, #tpu.memory_space<hbm>>
      %dma_wait3A_22 = tpu.memref_squeeze %dma_wait3A_21 : memref<1x10112x128xf32, #tpu.memory_space<hbm>> -> memref<10112x128xf32, #tpu.memory_space<hbm>>
      %dma_wait3A_23 = arith.constant 0 : i32
      %dma_wait3A_24 = tpu.memref_slice %dma_wait3A_22[%mul3A_12, %dma_wait3A_23] : memref<10112x128xf32, #tpu.memory_space<hbm>> -> memref<632x128xf32, #tpu.memory_space<hbm>>
      %dma_wait3A_25 = arith.constant 0 : i32
      %dma_wait3A_26 = tpu.memref_slice %arg10[%mul3A_10, %dma_wait3A_25] : memref<10112x128xf32, #tpu.memory_space<vmem_shared>> -> memref<632x128xf32, #tpu.memory_space<vmem_shared>>
      tpu.wait_dma2 semaphore(%run_scoped3A : memref<!tpu.dma_semaphore, #tpu.memory_space<semaphore_mem>>) src(%dma_wait3A_26 : memref<632x128xf32, #tpu.memory_space<vmem_shared>>) dst(%dma_wait3A_24 : memref<632x128xf32, #tpu.memory_space<hbm>>)
      tpu.yield
    }) : () -> ()
    return
  }
}

#map = affine_map<(d0, d1) -> (0, 0)>
#map1 = affine_map<(d0, d1) -> (0, 0, 0)>
module attributes {stable_mosaic.version = 14 : i64} {
  func.func @_segsum_body(%arg0: i32, %arg1: i32, %arg2: memref<10000x128xf32, #tpu.memory_space<hbm>>, %arg3: memref<32x125x80xi32, #tpu.memory_space<hbm>>, %arg4: memref<32x125x80xi32, #tpu.memory_space<hbm>>, %arg5: memref<632x128xf32, #tpu.memory_space<hbm>>, %arg6: memref<2x10112x128xf32, #tpu.memory_space<hbm>>, %arg7: memref<125x80xi32, #tpu.memory_space<vmem>>, %arg8: memref<125x80xi32, #tpu.memory_space<vmem>>, %arg9: memref<80x128xf32, #tpu.memory_space<vmem>>, %arg10: memref<10112x128xf32, #tpu.memory_space<vmem_shared>>, %arg11: memref<!tpu.dma_semaphore, #tpu.memory_space<semaphore_mem>>) attributes {dimension_semantics = [#tpu.dimension_semantics<core_parallel>, #tpu.dimension_semantics<subcore_parallel>], iteration_bounds = array<i64: 2, 16>, scalar_prefetch = 0 : i64, scratch_operands = 5 : i64, tpu.core_type = #tpu.core_type<sc_vector_subcore>, window_params = [{transform_indices = #map}, {transform_indices = #map1}, {transform_indices = #map1}, {transform_indices = #map}, {transform_indices = #map1}]} {
    %mul3A = arith.constant 16 : i32
    %mul3A_0 = arith.muli %arg0, %mul3A : i32
    %add3A = arith.addi %mul3A_0, %arg1 : i32
    %mul3A_1 = arith.constant 632 : i32
    %mul3A_2 = arith.muli %arg1, %mul3A_1 : i32
    "tpu.region"() ({
      %run_scoped3A = tpu.sem_alloc : memref<!tpu.dma_semaphore, #tpu.memory_space<semaphore_mem>>
      %dma_start3A = arith.constant 0 : i32
      %dma_start3A_13 = tpu.memref_slice %arg10[%mul3A_2, %dma_start3A] : memref<10112x128xf32, #tpu.memory_space<vmem_shared>> -> memref<632x128xf32, #tpu.memory_space<vmem_shared>>
      tpu.enqueue_dma source(%arg5 : memref<632x128xf32, #tpu.memory_space<hbm>>) target(%dma_start3A_13 : memref<632x128xf32, #tpu.memory_space<vmem_shared>>) target_semaphore(%run_scoped3A : memref<!tpu.dma_semaphore, #tpu.memory_space<semaphore_mem>>)
      %dma_wait3A = arith.constant 0 : i32
      %dma_wait3A_14 = tpu.memref_slice %arg10[%mul3A_2, %dma_wait3A] : memref<10112x128xf32, #tpu.memory_space<vmem_shared>> -> memref<632x128xf32, #tpu.memory_space<vmem_shared>>
      tpu.wait_dma2 semaphore(%run_scoped3A : memref<!tpu.dma_semaphore, #tpu.memory_space<semaphore_mem>>) src(%arg5 : memref<632x128xf32, #tpu.memory_space<hbm>>) dst(%dma_wait3A_14 : memref<632x128xf32, #tpu.memory_space<vmem_shared>>)
      tpu.yield
    }) : () -> ()
    "tpu.region"() ({
      %run_scoped3A = tpu.sem_alloc : memref<!tpu.dma_semaphore, #tpu.memory_space<semaphore_mem>>
      %dma_start3A = arith.constant 0 : i32
      %dma_start3A_13 = arith.constant 0 : i32
      %dma_start3A_14 = tpu.memref_slice %arg3[%add3A, %dma_start3A, %dma_start3A_13] : memref<32x125x80xi32, #tpu.memory_space<hbm>> -> memref<1x125x80xi32, #tpu.memory_space<hbm>>
      %dma_start3A_15 = tpu.memref_squeeze %dma_start3A_14 : memref<1x125x80xi32, #tpu.memory_space<hbm>> -> memref<125x80xi32, #tpu.memory_space<hbm>>
      %dma_start3A_16 = arith.constant 0 : i32
      %dma_start3A_17 = arith.constant 0 : i32
      %dma_start3A_18 = tpu.memref_slice %arg3[%add3A, %dma_start3A_16, %dma_start3A_17] : memref<32x125x80xi32, #tpu.memory_space<hbm>> -> memref<1x125x80xi32, #tpu.memory_space<hbm>>
      %dma_start3A_19 = tpu.memref_squeeze %dma_start3A_18 : memref<1x125x80xi32, #tpu.memory_space<hbm>> -> memref<125x80xi32, #tpu.memory_space<hbm>>
      tpu.enqueue_dma source(%dma_start3A_19 : memref<125x80xi32, #tpu.memory_space<hbm>>) target(%arg7 : memref<125x80xi32, #tpu.memory_space<vmem>>) target_semaphore(%run_scoped3A : memref<!tpu.dma_semaphore, #tpu.memory_space<semaphore_mem>>)
      %dma_wait3A = arith.constant 0 : i32
      %dma_wait3A_20 = arith.constant 0 : i32
      %dma_wait3A_21 = tpu.memref_slice %arg3[%add3A, %dma_wait3A, %dma_wait3A_20] : memref<32x125x80xi32, #tpu.memory_space<hbm>> -> memref<1x125x80xi32, #tpu.memory_space<hbm>>
      %dma_wait3A_22 = tpu.memref_squeeze %dma_wait3A_21 : memref<1x125x80xi32, #tpu.memory_space<hbm>> -> memref<125x80xi32, #tpu.memory_space<hbm>>
      %dma_wait3A_23 = arith.constant 0 : i32
      %dma_wait3A_24 = arith.constant 0 : i32
      %dma_wait3A_25 = tpu.memref_slice %arg3[%add3A, %dma_wait3A_23, %dma_wait3A_24] : memref<32x125x80xi32, #tpu.memory_space<hbm>> -> memref<1x125x80xi32, #tpu.memory_space<hbm>>
      %dma_wait3A_26 = tpu.memref_squeeze %dma_wait3A_25 : memref<1x125x80xi32, #tpu.memory_space<hbm>> -> memref<125x80xi32, #tpu.memory_space<hbm>>
      tpu.wait_dma2 semaphore(%run_scoped3A : memref<!tpu.dma_semaphore, #tpu.memory_space<semaphore_mem>>) src(%dma_wait3A_26 : memref<125x80xi32, #tpu.memory_space<hbm>>) dst(%arg7 : memref<125x80xi32, #tpu.memory_space<vmem>>)
      tpu.yield
    }) : () -> ()
    "tpu.region"() ({
      %run_scoped3A = tpu.sem_alloc : memref<!tpu.dma_semaphore, #tpu.memory_space<semaphore_mem>>
      %dma_start3A = arith.constant 0 : i32
      %dma_start3A_13 = arith.constant 0 : i32
      %dma_start3A_14 = tpu.memref_slice %arg4[%add3A, %dma_start3A, %dma_start3A_13] : memref<32x125x80xi32, #tpu.memory_space<hbm>> -> memref<1x125x80xi32, #tpu.memory_space<hbm>>
      %dma_start3A_15 = tpu.memref_squeeze %dma_start3A_14 : memref<1x125x80xi32, #tpu.memory_space<hbm>> -> memref<125x80xi32, #tpu.memory_space<hbm>>
      %dma_start3A_16 = arith.constant 0 : i32
      %dma_start3A_17 = arith.constant 0 : i32
      %dma_start3A_18 = tpu.memref_slice %arg4[%add3A, %dma_start3A_16, %dma_start3A_17] : memref<32x125x80xi32, #tpu.memory_space<hbm>> -> memref<1x125x80xi32, #tpu.memory_space<hbm>>
      %dma_start3A_19 = tpu.memref_squeeze %dma_start3A_18 : memref<1x125x80xi32, #tpu.memory_space<hbm>> -> memref<125x80xi32, #tpu.memory_space<hbm>>
      tpu.enqueue_dma source(%dma_start3A_19 : memref<125x80xi32, #tpu.memory_space<hbm>>) target(%arg8 : memref<125x80xi32, #tpu.memory_space<vmem>>) target_semaphore(%run_scoped3A : memref<!tpu.dma_semaphore, #tpu.memory_space<semaphore_mem>>)
      %dma_wait3A = arith.constant 0 : i32
      %dma_wait3A_20 = arith.constant 0 : i32
      %dma_wait3A_21 = tpu.memref_slice %arg4[%add3A, %dma_wait3A, %dma_wait3A_20] : memref<32x125x80xi32, #tpu.memory_space<hbm>> -> memref<1x125x80xi32, #tpu.memory_space<hbm>>
      %dma_wait3A_22 = tpu.memref_squeeze %dma_wait3A_21 : memref<1x125x80xi32, #tpu.memory_space<hbm>> -> memref<125x80xi32, #tpu.memory_space<hbm>>
      %dma_wait3A_23 = arith.constant 0 : i32
      %dma_wait3A_24 = arith.constant 0 : i32
      %dma_wait3A_25 = tpu.memref_slice %arg4[%add3A, %dma_wait3A_23, %dma_wait3A_24] : memref<32x125x80xi32, #tpu.memory_space<hbm>> -> memref<1x125x80xi32, #tpu.memory_space<hbm>>
      %dma_wait3A_26 = tpu.memref_squeeze %dma_wait3A_25 : memref<1x125x80xi32, #tpu.memory_space<hbm>> -> memref<125x80xi32, #tpu.memory_space<hbm>>
      tpu.wait_dma2 semaphore(%run_scoped3A : memref<!tpu.dma_semaphore, #tpu.memory_space<semaphore_mem>>) src(%dma_wait3A_26 : memref<125x80xi32, #tpu.memory_space<hbm>>) dst(%arg8 : memref<125x80xi32, #tpu.memory_space<vmem>>)
      tpu.yield
    }) : () -> ()
    %barrier3A = arith.constant 0 : index
    tpu.barrier barrier_id(%barrier3A)
    %scan3A = arith.constant 0 : i32
    %scan3A_3 = arith.constant 0 : i32
    %scan3A_4 = arith.constant 125 : i32
    %scan3A_5 = arith.addi %scan3A_3, %scan3A_4 : i32
    %scan3A_6 = arith.constant 1 : i32
    scf.for %scan3A_13 = %scan3A_3 to %scan3A_5 step %scan3A_6  : i32 {
      %dma_start3A = arith.constant 0 : i32
      %dma_start3A_14 = tpu.memref_slice %arg7[%scan3A_13, %dma_start3A] : memref<125x80xi32, #tpu.memory_space<vmem>> -> memref<1x80xi32, #tpu.memory_space<vmem>>
      %dma_start3A_15 = tpu.memref_squeeze %dma_start3A_14 : memref<1x80xi32, #tpu.memory_space<vmem>> -> memref<80xi32, #tpu.memory_space<vmem>>
      %dma_start3A_16 = arith.constant 0 : i32
      %dma_start3A_17 = arith.constant 0 : i32
      %dma_start3A_18 = tpu.memref_slice %arg2[%dma_start3A_16, %dma_start3A_17] : memref<10000x128xf32, #tpu.memory_space<hbm>> -> memref<10000x128xf32, #tpu.memory_space<hbm>>
      tpu.enqueue_indirect_dma source(%dma_start3A_18 : memref<10000x128xf32, #tpu.memory_space<hbm>>) target(%arg9 : memref<80x128xf32, #tpu.memory_space<vmem>>) offsets(%dma_start3A_15 : memref<80xi32, #tpu.memory_space<vmem>>) semaphore(%arg11 : memref<!tpu.dma_semaphore, #tpu.memory_space<semaphore_mem>>)
      %dma_wait3A = arith.constant 0 : i32
      %dma_wait3A_19 = tpu.memref_slice %arg7[%scan3A_13, %dma_wait3A] : memref<125x80xi32, #tpu.memory_space<vmem>> -> memref<1x80xi32, #tpu.memory_space<vmem>>
      %dma_wait3A_20 = tpu.memref_squeeze %dma_wait3A_19 : memref<1x80xi32, #tpu.memory_space<vmem>> -> memref<80xi32, #tpu.memory_space<vmem>>
      %dma_wait3A_21 = arith.constant 0 : i32
      %dma_wait3A_22 = arith.constant 0 : i32
      %dma_wait3A_23 = tpu.memref_slice %arg2[%dma_wait3A_21, %dma_wait3A_22] : memref<10000x128xf32, #tpu.memory_space<hbm>> -> memref<10000x128xf32, #tpu.memory_space<hbm>>
      tpu.wait_indirect_dma semaphore(%arg11 : memref<!tpu.dma_semaphore, #tpu.memory_space<semaphore_mem>>) src(%dma_wait3A_23 : memref<10000x128xf32, #tpu.memory_space<hbm>>) dst(%arg9 : memref<80x128xf32, #tpu.memory_space<vmem>>)
      "tpu.region"() ({
        %run_scoped3A = tpu.sem_alloc : memref<!tpu.dma_semaphore, #tpu.memory_space<semaphore_mem>>
        %dma_start3A_24 = arith.constant 0 : i32
        %dma_start3A_25 = tpu.memref_slice %arg8[%scan3A_13, %dma_start3A_24] : memref<125x80xi32, #tpu.memory_space<vmem>> -> memref<1x80xi32, #tpu.memory_space<vmem>>
        %dma_start3A_26 = tpu.memref_squeeze %dma_start3A_25 : memref<1x80xi32, #tpu.memory_space<vmem>> -> memref<80xi32, #tpu.memory_space<vmem>>
        %dma_start3A_27 = arith.constant 0 : i32
        %dma_start3A_28 = arith.constant 0 : i32
        %dma_start3A_29 = tpu.memref_slice %arg10[%dma_start3A_27, %dma_start3A_28] : memref<10112x128xf32, #tpu.memory_space<vmem_shared>> -> memref<10112x128xf32, #tpu.memory_space<vmem_shared>>
        tpu.enqueue_indirect_dma source(%arg9 : memref<80x128xf32, #tpu.memory_space<vmem>>) target(%dma_start3A_29 : memref<10112x128xf32, #tpu.memory_space<vmem_shared>>) offsets(%dma_start3A_26 : memref<80xi32, #tpu.memory_space<vmem>>) semaphore(%run_scoped3A : memref<!tpu.dma_semaphore, #tpu.memory_space<semaphore_mem>>) {add = true}
        %dma_wait3A_30 = arith.constant 0 : i32
        %dma_wait3A_31 = tpu.memref_slice %arg8[%scan3A_13, %dma_wait3A_30] : memref<125x80xi32, #tpu.memory_space<vmem>> -> memref<1x80xi32, #tpu.memory_space<vmem>>
        %dma_wait3A_32 = tpu.memref_squeeze %dma_wait3A_31 : memref<1x80xi32, #tpu.memory_space<vmem>> -> memref<80xi32, #tpu.memory_space<vmem>>
        %dma_wait3A_33 = arith.constant 0 : i32
        %dma_wait3A_34 = arith.constant 0 : i32
        %dma_wait3A_35 = tpu.memref_slice %arg10[%dma_wait3A_33, %dma_wait3A_34] : memref<10112x128xf32, #tpu.memory_space<vmem_shared>> -> memref<10112x128xf32, #tpu.memory_space<vmem_shared>>
        tpu.wait_indirect_dma semaphore(%run_scoped3A : memref<!tpu.dma_semaphore, #tpu.memory_space<semaphore_mem>>) src(%arg9 : memref<80x128xf32, #tpu.memory_space<vmem>>) dst(%dma_wait3A_35 : memref<10112x128xf32, #tpu.memory_space<vmem_shared>>)
        tpu.yield
      }) : () -> ()
    }
    %scan3A_7 = arith.constant 125 : i32
    %barrier3A_8 = arith.constant 0 : index
    tpu.barrier barrier_id(%barrier3A_8)
    %mul3A_9 = arith.constant 632 : i32
    %mul3A_10 = arith.muli %arg1, %mul3A_9 : i32
    %mul3A_11 = arith.constant 632 : i32
    %mul3A_12 = arith.muli %arg1, %mul3A_11 : i32
    "tpu.region"() ({
      %run_scoped3A = tpu.sem_alloc : memref<!tpu.dma_semaphore, #tpu.memory_space<semaphore_mem>>
      %dma_start3A = arith.constant 0 : i32
      %dma_start3A_13 = arith.constant 0 : i32
      %dma_start3A_14 = tpu.memref_slice %arg6[%arg0, %dma_start3A, %dma_start3A_13] : memref<2x10112x128xf32, #tpu.memory_space<hbm>> -> memref<1x10112x128xf32, #tpu.memory_space<hbm>>
      %dma_start3A_15 = tpu.memref_squeeze %dma_start3A_14 : memref<1x10112x128xf32, #tpu.memory_space<hbm>> -> memref<10112x128xf32, #tpu.memory_space<hbm>>
      %dma_start3A_16 = arith.constant 0 : i32
      %dma_start3A_17 = tpu.memref_slice %dma_start3A_15[%mul3A_12, %dma_start3A_16] : memref<10112x128xf32, #tpu.memory_space<hbm>> -> memref<632x128xf32, #tpu.memory_space<hbm>>
      %dma_start3A_18 = arith.constant 0 : i32
      %dma_start3A_19 = tpu.memref_slice %arg10[%mul3A_10, %dma_start3A_18] : memref<10112x128xf32, #tpu.memory_space<vmem_shared>> -> memref<632x128xf32, #tpu.memory_space<vmem_shared>>
      tpu.enqueue_dma source(%dma_start3A_19 : memref<632x128xf32, #tpu.memory_space<vmem_shared>>) target(%dma_start3A_17 : memref<632x128xf32, #tpu.memory_space<hbm>>) target_semaphore(%run_scoped3A : memref<!tpu.dma_semaphore, #tpu.memory_space<semaphore_mem>>)
      %dma_wait3A = arith.constant 0 : i32
      %dma_wait3A_20 = arith.constant 0 : i32
      %dma_wait3A_21 = tpu.memref_slice %arg6[%arg0, %dma_wait3A, %dma_wait3A_20] : memref<2x10112x128xf32, #tpu.memory_space<hbm>> -> memref<1x10112x128xf32, #tpu.memory_space<hbm>>
      %dma_wait3A_22 = tpu.memref_squeeze %dma_wait3A_21 : memref<1x10112x128xf32, #tpu.memory_space<hbm>> -> memref<10112x128xf32, #tpu.memory_space<hbm>>
      %dma_wait3A_23 = arith.constant 0 : i32
      %dma_wait3A_24 = tpu.memref_slice %dma_wait3A_22[%mul3A_12, %dma_wait3A_23] : memref<10112x128xf32, #tpu.memory_space<hbm>> -> memref<632x128xf32, #tpu.memory_space<hbm>>
      %dma_wait3A_25 = arith.constant 0 : i32
      %dma_wait3A_26 = tpu.memref_slice %arg10[%mul3A_10, %dma_wait3A_25] : memref<10112x128xf32, #tpu.memory_space<vmem_shared>> -> memref<632x128xf32, #tpu.memory_space<vmem_shared>>
      tpu.wait_dma2 semaphore(%run_scoped3A : memref<!tpu.dma_semaphore, #tpu.memory_space<semaphore_mem>>) src(%dma_wait3A_26 : memref<632x128xf32, #tpu.memory_space<vmem_shared>>) dst(%dma_wait3A_24 : memref<632x128xf32, #tpu.memory_space<hbm>>)
      tpu.yield
    }) : () -> ()
    return
  }
}

module attributes {stable_mosaic.version = 14 : i64} {
  func.func @_conv_body(%arg0: i32, %arg1: memref<2x400x128xf32, #tpu.memory_space<vmem>>, %arg2: memref<400x128xf32, #tpu.memory_space<vmem>>, %arg3: memref<128x128xf32, #tpu.memory_space<vmem>>, %arg4: memref<1x128xf32, #tpu.memory_space<vmem>>, %arg5: memref<128x128xf32, #tpu.memory_space<vmem>>, %arg6: memref<400x128xf32, #tpu.memory_space<vmem>>) attributes {dimension_semantics = [#tpu.dimension_semantics<arbitrary>], iteration_bounds = array<i64: 25>, scalar_prefetch = 0 : i64, scratch_operands = 0 : i64, tpu.core_type = #tpu.core_type<tc>, window_params = [{transform_indices = @transform_0, window_bounds = array<i64: 2, 400, 128>}, {transform_indices = @transform_1, window_bounds = array<i64: 400, 128>}, {pipeline_mode = #tpu.pipeline_mode<synchronous>, transform_indices = @transform_2, window_bounds = array<i64: 128, 128>}, {pipeline_mode = #tpu.pipeline_mode<synchronous>, transform_indices = @transform_3, window_bounds = array<i64: 1, 128>}, {pipeline_mode = #tpu.pipeline_mode<synchronous>, transform_indices = @transform_4, window_bounds = array<i64: 128, 128>}, {transform_indices = @transform_5, window_bounds = array<i64: 400, 128>}]} {
    %get3A = arith.constant 0 : index
    %get3A_0 = arith.constant 0 : index
    %get3A_1 = arith.constant 0 : index
    %get3A_2 = vector.load %arg1[%get3A, %get3A_0, %get3A_1] : memref<2x400x128xf32, #tpu.memory_space<vmem>>, vector<1x400x128xf32>
    %get3A_3 = vector.shape_cast %get3A_2 : vector<1x400x128xf32> to vector<400x128xf32>
    %get3A_4 = arith.constant 1 : index
    %get3A_5 = arith.constant 0 : index
    %get3A_6 = arith.constant 0 : index
    %get3A_7 = vector.load %arg1[%get3A_4, %get3A_5, %get3A_6] : memref<2x400x128xf32, #tpu.memory_space<vmem>>, vector<1x400x128xf32>
    %get3A_8 = vector.shape_cast %get3A_7 : vector<1x400x128xf32> to vector<400x128xf32>
    %add3A = arith.addf %get3A_3, %get3A_8 : vector<400x128xf32>
    %get3A_9 = arith.constant 0 : index
    %get3A_10 = arith.constant 0 : index
    %get3A_11 = vector.load %arg3[%get3A_9, %get3A_10] : memref<128x128xf32, #tpu.memory_space<vmem>>, vector<128x128xf32>
    %dot_general3A = arith.constant dense<0.000000e+00> : vector<400x128xf32>
    %dot_general3A_12 = tpu.matmul %add3A, %get3A_11, %dot_general3A {dimension_numbers = #tpu.dot_dimension_numbers<[1], [1], [0], [0], [0, 0, 1, 0], [], []>, precision = #tpu.contract_precision<fp32>, transpose_lhs_hint = false} : vector<400x128xf32>, vector<128x128xf32>, vector<400x128xf32> -> vector<400x128xf32>
    %get3A_13 = arith.constant 0 : index
    %get3A_14 = arith.constant 0 : index
    %get3A_15 = vector.load %arg2[%get3A_13, %get3A_14] : memref<400x128xf32, #tpu.memory_space<vmem>>, vector<400x128xf32>
    %get3A_16 = arith.constant 0 : index
    %get3A_17 = arith.constant 0 : index
    %get3A_18 = vector.load %arg5[%get3A_16, %get3A_17] : memref<128x128xf32, #tpu.memory_space<vmem>>, vector<128x128xf32>
    %dot_general3A_19 = arith.constant dense<0.000000e+00> : vector<400x128xf32>
    %dot_general3A_20 = tpu.matmul %get3A_15, %get3A_18, %dot_general3A_19 {dimension_numbers = #tpu.dot_dimension_numbers<[1], [1], [0], [0], [0, 0, 1, 0], [], []>, precision = #tpu.contract_precision<fp32>, transpose_lhs_hint = false} : vector<400x128xf32>, vector<128x128xf32>, vector<400x128xf32> -> vector<400x128xf32>
    %get3A_21 = arith.constant 0 : index
    %get3A_22 = arith.constant 0 : index
    %get3A_23 = vector.load %arg4[%get3A_21, %get3A_22] : memref<1x128xf32, #tpu.memory_space<vmem>>, vector<1x128xf32>
    %add3A_24 = vector.broadcast %get3A_23 : vector<1x128xf32> to vector<400x128xf32>
    %add3A_25 = arith.addf %dot_general3A_12, %add3A_24 : vector<400x128xf32>
    %add3A_26 = arith.addf %add3A_25, %dot_general3A_20 : vector<400x128xf32>
    %max3A = arith.constant 0.000000e+00 : f32
    %max3A_27 = vector.broadcast %max3A : f32 to vector<400x128xf32>
    %max3A_28 = arith.maximumf %add3A_26, %max3A_27 : vector<400x128xf32>
    %swap3A = arith.constant 0 : index
    %swap3A_29 = arith.constant 0 : index
    %swap3A_30 = vector.load %arg6[%swap3A, %swap3A_29] : memref<400x128xf32, #tpu.memory_space<vmem>>, vector<400x128xf32>
    tpu.vector_store %arg6[%swap3A, %swap3A_29], %max3A_28 {strides = array<i32>} : memref<400x128xf32, #tpu.memory_space<vmem>>, vector<400x128xf32>,
    return
  }
  func.func @transform_0(%arg0: i32) -> (i32, i32, i32) {
    %c0_i32 = arith.constant 0 : i32
    %c0_i32_0 = arith.constant 0 : i32
    %c0_i32_1 = arith.constant 0 : i32
    return %c0_i32, %arg0, %c0_i32_0 : i32, i32, i32
  }
  func.func @transform_1(%arg0: i32) -> (i32, i32) {
    %c0_i32 = arith.constant 0 : i32
    %c0_i32_0 = arith.constant 0 : i32
    return %arg0, %c0_i32 : i32, i32
  }
  func.func @transform_2(%arg0: i32) -> (i32, i32) {
    %c0_i32 = arith.constant 0 : i32
    %c0_i32_0 = arith.constant 0 : i32
    %c0_i32_1 = arith.constant 0 : i32
    return %c0_i32, %c0_i32_0 : i32, i32
  }
  func.func @transform_3(%arg0: i32) -> (i32, i32) {
    %c0_i32 = arith.constant 0 : i32
    %c0_i32_0 = arith.constant 0 : i32
    %c0_i32_1 = arith.constant 0 : i32
    return %c0_i32, %c0_i32_0 : i32, i32
  }
  func.func @transform_4(%arg0: i32) -> (i32, i32) {
    %c0_i32 = arith.constant 0 : i32
    %c0_i32_0 = arith.constant 0 : i32
    %c0_i32_1 = arith.constant 0 : i32
    return %c0_i32, %c0_i32_0 : i32, i32
  }
  func.func @transform_5(%arg0: i32) -> (i32, i32) {
    %c0_i32 = arith.constant 0 : i32
    %c0_i32_0 = arith.constant 0 : i32
    return %arg0, %c0_i32 : i32, i32
  }
}

module attributes {stable_mosaic.version = 14 : i64} {
  func.func @_conv_body(%arg0: i32, %arg1: memref<2x400x128xf32, #tpu.memory_space<vmem>>, %arg2: memref<400x128xf32, #tpu.memory_space<vmem>>, %arg3: memref<128x128xf32, #tpu.memory_space<vmem>>, %arg4: memref<1x128xf32, #tpu.memory_space<vmem>>, %arg5: memref<128x128xf32, #tpu.memory_space<vmem>>, %arg6: memref<400x128xf32, #tpu.memory_space<vmem>>) attributes {dimension_semantics = [#tpu.dimension_semantics<arbitrary>], iteration_bounds = array<i64: 25>, scalar_prefetch = 0 : i64, scratch_operands = 0 : i64, tpu.core_type = #tpu.core_type<tc>, window_params = [{transform_indices = @transform_0, window_bounds = array<i64: 2, 400, 128>}, {transform_indices = @transform_1, window_bounds = array<i64: 400, 128>}, {pipeline_mode = #tpu.pipeline_mode<synchronous>, transform_indices = @transform_2, window_bounds = array<i64: 128, 128>}, {pipeline_mode = #tpu.pipeline_mode<synchronous>, transform_indices = @transform_3, window_bounds = array<i64: 1, 128>}, {pipeline_mode = #tpu.pipeline_mode<synchronous>, transform_indices = @transform_4, window_bounds = array<i64: 128, 128>}, {transform_indices = @transform_5, window_bounds = array<i64: 400, 128>}]} {
    %get3A = arith.constant 0 : index
    %get3A_0 = arith.constant 0 : index
    %get3A_1 = arith.constant 0 : index
    %get3A_2 = vector.load %arg1[%get3A, %get3A_0, %get3A_1] : memref<2x400x128xf32, #tpu.memory_space<vmem>>, vector<1x400x128xf32>
    %get3A_3 = vector.shape_cast %get3A_2 : vector<1x400x128xf32> to vector<400x128xf32>
    %get3A_4 = arith.constant 1 : index
    %get3A_5 = arith.constant 0 : index
    %get3A_6 = arith.constant 0 : index
    %get3A_7 = vector.load %arg1[%get3A_4, %get3A_5, %get3A_6] : memref<2x400x128xf32, #tpu.memory_space<vmem>>, vector<1x400x128xf32>
    %get3A_8 = vector.shape_cast %get3A_7 : vector<1x400x128xf32> to vector<400x128xf32>
    %add3A = arith.addf %get3A_3, %get3A_8 : vector<400x128xf32>
    %get3A_9 = arith.constant 0 : index
    %get3A_10 = arith.constant 0 : index
    %get3A_11 = vector.load %arg3[%get3A_9, %get3A_10] : memref<128x128xf32, #tpu.memory_space<vmem>>, vector<128x128xf32>
    %dot_general3A = arith.constant dense<0.000000e+00> : vector<400x128xf32>
    %dot_general3A_12 = tpu.matmul %add3A, %get3A_11, %dot_general3A {dimension_numbers = #tpu.dot_dimension_numbers<[1], [1], [0], [0], [0, 0, 1, 0], [], []>, precision = #tpu.contract_precision<fp32>, transpose_lhs_hint = false} : vector<400x128xf32>, vector<128x128xf32>, vector<400x128xf32> -> vector<400x128xf32>
    %get3A_13 = arith.constant 0 : index
    %get3A_14 = arith.constant 0 : index
    %get3A_15 = vector.load %arg2[%get3A_13, %get3A_14] : memref<400x128xf32, #tpu.memory_space<vmem>>, vector<400x128xf32>
    %get3A_16 = arith.constant 0 : index
    %get3A_17 = arith.constant 0 : index
    %get3A_18 = vector.load %arg5[%get3A_16, %get3A_17] : memref<128x128xf32, #tpu.memory_space<vmem>>, vector<128x128xf32>
    %dot_general3A_19 = arith.constant dense<0.000000e+00> : vector<400x128xf32>
    %dot_general3A_20 = tpu.matmul %get3A_15, %get3A_18, %dot_general3A_19 {dimension_numbers = #tpu.dot_dimension_numbers<[1], [1], [0], [0], [0, 0, 1, 0], [], []>, precision = #tpu.contract_precision<fp32>, transpose_lhs_hint = false} : vector<400x128xf32>, vector<128x128xf32>, vector<400x128xf32> -> vector<400x128xf32>
    %get3A_21 = arith.constant 0 : index
    %get3A_22 = arith.constant 0 : index
    %get3A_23 = vector.load %arg4[%get3A_21, %get3A_22] : memref<1x128xf32, #tpu.memory_space<vmem>>, vector<1x128xf32>
    %add3A_24 = vector.broadcast %get3A_23 : vector<1x128xf32> to vector<400x128xf32>
    %add3A_25 = arith.addf %dot_general3A_12, %add3A_24 : vector<400x128xf32>
    %add3A_26 = arith.addf %add3A_25, %dot_general3A_20 : vector<400x128xf32>
    %max3A = arith.constant 0.000000e+00 : f32
    %max3A_27 = vector.broadcast %max3A : f32 to vector<400x128xf32>
    %max3A_28 = arith.maximumf %add3A_26, %max3A_27 : vector<400x128xf32>
    %get3A_29 = arith.constant 0 : index
    %get3A_30 = arith.constant 0 : index
    %get3A_31 = vector.load %arg2[%get3A_29, %get3A_30] : memref<400x128xf32, #tpu.memory_space<vmem>>, vector<400x128xf32>
    %add3A_32 = arith.addf %max3A_28, %get3A_31 : vector<400x128xf32>
    %swap3A = arith.constant 0 : index
    %swap3A_33 = arith.constant 0 : index
    %swap3A_34 = vector.load %arg6[%swap3A, %swap3A_33] : memref<400x128xf32, #tpu.memory_space<vmem>>, vector<400x128xf32>
    tpu.vector_store %arg6[%swap3A, %swap3A_33], %add3A_32 {strides = array<i32>} : memref<400x128xf32, #tpu.memory_space<vmem>>, vector<400x128xf32>,
    return
  }
  func.func @transform_0(%arg0: i32) -> (i32, i32, i32) {
    %c0_i32 = arith.constant 0 : i32
    %c0_i32_0 = arith.constant 0 : i32
    %c0_i32_1 = arith.constant 0 : i32
    return %c0_i32, %arg0, %c0_i32_0 : i32, i32, i32
  }
  func.func @transform_1(%arg0: i32) -> (i32, i32) {
    %c0_i32 = arith.constant 0 : i32
    %c0_i32_0 = arith.constant 0 : i32
    return %arg0, %c0_i32 : i32, i32
  }
  func.func @transform_2(%arg0: i32) -> (i32, i32) {
    %c0_i32 = arith.constant 0 : i32
    %c0_i32_0 = arith.constant 0 : i32
    %c0_i32_1 = arith.constant 0 : i32
    return %c0_i32, %c0_i32_0 : i32, i32
  }
  func.func @transform_3(%arg0: i32) -> (i32, i32) {
    %c0_i32 = arith.constant 0 : i32
    %c0_i32_0 = arith.constant 0 : i32
    %c0_i32_1 = arith.constant 0 : i32
    return %c0_i32, %c0_i32_0 : i32, i32
  }
  func.func @transform_4(%arg0: i32) -> (i32, i32) {
    %c0_i32 = arith.constant 0 : i32
    %c0_i32_0 = arith.constant 0 : i32
    %c0_i32_1 = arith.constant 0 : i32
    return %c0_i32, %c0_i32_0 : i32, i32
  }
  func.func @transform_5(%arg0: i32) -> (i32, i32) {
    %c0_i32 = arith.constant 0 : i32
    %c0_i32_0 = arith.constant 0 : i32
    return %arg0, %c0_i32 : i32, i32
  }
}

module attributes {stable_mosaic.version = 14 : i64} {
  func.func @_convpool_body(%arg0: i32, %arg1: memref<2x400x128xf32, #tpu.memory_space<vmem>>, %arg2: memref<400x128xf32, #tpu.memory_space<vmem>>, %arg3: memref<128x128xf32, #tpu.memory_space<vmem>>, %arg4: memref<1x128xf32, #tpu.memory_space<vmem>>, %arg5: memref<128x128xf32, #tpu.memory_space<vmem>>, %arg6: memref<1x1x400xi32, #tpu.memory_space<vmem>>, %arg7: memref<10x128xf32, #tpu.memory_space<vmem>>, %arg8: memref<1x10xf32, #tpu.memory_space<vmem>>, %arg9: memref<64x10xf32, #tpu.memory_space<vmem>>, %arg10: memref<64x128xf32, #tpu.memory_space<vmem>>, %arg11: memref<64x128xf32, #tpu.memory_space<vmem>>) attributes {dimension_semantics = [#tpu.dimension_semantics<arbitrary>], iteration_bounds = array<i64: 25>, scalar_prefetch = 0 : i64, scratch_operands = 2 : i64, tpu.core_type = #tpu.core_type<tc>, window_params = [{transform_indices = @transform_0, window_bounds = array<i64: 2, 400, 128>}, {transform_indices = @transform_1, window_bounds = array<i64: 400, 128>}, {pipeline_mode = #tpu.pipeline_mode<synchronous>, transform_indices = @transform_2, window_bounds = array<i64: 128, 128>}, {pipeline_mode = #tpu.pipeline_mode<synchronous>, transform_indices = @transform_3, window_bounds = array<i64: 1, 128>}, {pipeline_mode = #tpu.pipeline_mode<synchronous>, transform_indices = @transform_4, window_bounds = array<i64: 128, 128>}, {transform_indices = @transform_5, window_bounds = array<i64: 1, 1, 400>}, {pipeline_mode = #tpu.pipeline_mode<synchronous>, transform_indices = @transform_6, window_bounds = array<i64: 10, 128>}, {pipeline_mode = #tpu.pipeline_mode<synchronous>, transform_indices = @transform_7, window_bounds = array<i64: 1, 10>}, {pipeline_mode = #tpu.pipeline_mode<synchronous>, transform_indices = @transform_8, window_bounds = array<i64: 64, 10>}]} {
    %eq3A = arith.constant 0 : i32
    %eq3A_0 = arith.cmpi eq, %arg0, %eq3A : i32
    %convert_element_type3A = arith.extui %eq3A_0 : i1 to i32
    %cond3A = arith.constant 0 : i32
    %cond3A_1 = arith.cmpi ne, %convert_element_type3A, %cond3A : i32
    scf.if %cond3A_1 {
      %broadcast_in_dim3A_67 = arith.constant 0.000000e+00 : f32
      %broadcast_in_dim3A_68 = vector.broadcast %broadcast_in_dim3A_67 : f32 to vector<64x128xf32>
      %swap3A_69 = arith.constant 0 : index
      %swap3A_70 = arith.constant 0 : index
      %swap3A_71 = vector.load %arg10[%swap3A_69, %swap3A_70] : memref<64x128xf32, #tpu.memory_space<vmem>>, vector<64x128xf32>
      tpu.vector_store %arg10[%swap3A_69, %swap3A_70], %broadcast_in_dim3A_68 {strides = array<i32>} : memref<64x128xf32, #tpu.memory_space<vmem>>, vector<64x128xf32>,
      %broadcast_in_dim3A_72 = arith.constant 0.000000e+00 : f32
      %broadcast_in_dim3A_73 = vector.broadcast %broadcast_in_dim3A_72 : f32 to vector<64x128xf32>
      %swap3A_74 = arith.constant 0 : index
      %swap3A_75 = arith.constant 0 : index
      %swap3A_76 = vector.load %arg11[%swap3A_74, %swap3A_75] : memref<64x128xf32, #tpu.memory_space<vmem>>, vector<64x128xf32>
      tpu.vector_store %arg11[%swap3A_74, %swap3A_75], %broadcast_in_dim3A_73 {strides = array<i32>} : memref<64x128xf32, #tpu.memory_space<vmem>>, vector<64x128xf32>,
    } else {
    }
    %get3A = arith.constant 0 : index
    %get3A_2 = arith.constant 0 : index
    %get3A_3 = arith.constant 0 : index
    %get3A_4 = vector.load %arg1[%get3A, %get3A_2, %get3A_3] : memref<2x400x128xf32, #tpu.memory_space<vmem>>, vector<1x400x128xf32>
    %get3A_5 = vector.shape_cast %get3A_4 : vector<1x400x128xf32> to vector<400x128xf32>
    %get3A_6 = arith.constant 1 : index
    %get3A_7 = arith.constant 0 : index
    %get3A_8 = arith.constant 0 : index
    %get3A_9 = vector.load %arg1[%get3A_6, %get3A_7, %get3A_8] : memref<2x400x128xf32, #tpu.memory_space<vmem>>, vector<1x400x128xf32>
    %get3A_10 = vector.shape_cast %get3A_9 : vector<1x400x128xf32> to vector<400x128xf32>
    %add3A = arith.addf %get3A_5, %get3A_10 : vector<400x128xf32>
    %get3A_11 = arith.constant 0 : index
    %get3A_12 = arith.constant 0 : index
    %get3A_13 = vector.load %arg3[%get3A_11, %get3A_12] : memref<128x128xf32, #tpu.memory_space<vmem>>, vector<128x128xf32>
    %dot_general3A = arith.constant dense<0.000000e+00> : vector<400x128xf32>
    %dot_general3A_14 = tpu.matmul %add3A, %get3A_13, %dot_general3A {dimension_numbers = #tpu.dot_dimension_numbers<[1], [1], [0], [0], [0, 0, 1, 0], [], []>, precision = #tpu.contract_precision<fp32>, transpose_lhs_hint = false} : vector<400x128xf32>, vector<128x128xf32>, vector<400x128xf32> -> vector<400x128xf32>
    %get3A_15 = arith.constant 0 : index
    %get3A_16 = arith.constant 0 : index
    %get3A_17 = vector.load %arg2[%get3A_15, %get3A_16] : memref<400x128xf32, #tpu.memory_space<vmem>>, vector<400x128xf32>
    %get3A_18 = arith.constant 0 : index
    %get3A_19 = arith.constant 0 : index
    %get3A_20 = vector.load %arg5[%get3A_18, %get3A_19] : memref<128x128xf32, #tpu.memory_space<vmem>>, vector<128x128xf32>
    %dot_general3A_21 = arith.constant dense<0.000000e+00> : vector<400x128xf32>
    %dot_general3A_22 = tpu.matmul %get3A_17, %get3A_20, %dot_general3A_21 {dimension_numbers = #tpu.dot_dimension_numbers<[1], [1], [0], [0], [0, 0, 1, 0], [], []>, precision = #tpu.contract_precision<fp32>, transpose_lhs_hint = false} : vector<400x128xf32>, vector<128x128xf32>, vector<400x128xf32> -> vector<400x128xf32>
    %get3A_23 = arith.constant 0 : index
    %get3A_24 = arith.constant 0 : index
    %get3A_25 = vector.load %arg4[%get3A_23, %get3A_24] : memref<1x128xf32, #tpu.memory_space<vmem>>, vector<1x128xf32>
    %add3A_26 = vector.broadcast %get3A_25 : vector<1x128xf32> to vector<400x128xf32>
    %add3A_27 = arith.addf %dot_general3A_14, %add3A_26 : vector<400x128xf32>
    %add3A_28 = arith.addf %add3A_27, %dot_general3A_22 : vector<400x128xf32>
    %max3A = arith.constant 0.000000e+00 : f32
    %max3A_29 = vector.broadcast %max3A : f32 to vector<400x128xf32>
    %max3A_30 = arith.maximumf %add3A_28, %max3A_29 : vector<400x128xf32>
    %get3A_31 = arith.constant 0 : index
    %get3A_32 = arith.constant 0 : index
    %get3A_33 = vector.load %arg2[%get3A_31, %get3A_32] : memref<400x128xf32, #tpu.memory_space<vmem>>, vector<400x128xf32>
    %add3A_34 = arith.addf %max3A_30, %get3A_33 : vector<400x128xf32>
    %get3A_35 = arith.constant 0 : index
    %get3A_36 = arith.constant 0 : index
    %get3A_37 = arith.constant 0 : index
    %get3A_38 = vector.load %arg6[%get3A_35, %get3A_36, %get3A_37] : memref<1x1x400xi32, #tpu.memory_space<vmem>>, vector<1x1x400xi32>
    %get3A_39 = vector.shape_cast %get3A_38 : vector<1x1x400xi32> to vector<1x400xi32>
    %iota3A = tpu.iota {dimensions = array<i32: 0>} : vector<64x400xi32>
    %eq3A_40 = vector.broadcast %get3A_39 : vector<1x400xi32> to vector<64x400xi32>
    %eq3A_41 = arith.cmpi eq, %eq3A_40, %iota3A : vector<64x400xi32>
    %convert_element_type3A_42 = arith.extui %eq3A_41 : vector<64x400xi1> to vector<64x400xi32>
    %convert_element_type3A_43 = arith.sitofp %convert_element_type3A_42 : vector<64x400xi32> to vector<64x400xf32>
    %get3A_44 = arith.constant 0 : index
    %get3A_45 = arith.constant 0 : index
    %get3A_46 = vector.load %arg10[%get3A_44, %get3A_45] : memref<64x128xf32, #tpu.memory_space<vmem>>, vector<64x128xf32>
    %dot_general3A_47 = arith.constant dense<0.000000e+00> : vector<64x128xf32>
    %dot_general3A_48 = tpu.matmul %convert_element_type3A_43, %add3A_34, %dot_general3A_47 {dimension_numbers = #tpu.dot_dimension_numbers<[1], [0], [0], [1], [0, 0, 1, 1], [], []>, precision = #tpu.contract_precision<fp32>, transpose_lhs_hint = false} : vector<64x400xf32>, vector<400x128xf32>, vector<64x128xf32> -> vector<64x128xf32>
    %add3A_49 = arith.addf %get3A_46, %dot_general3A_48 : vector<64x128xf32>
    %swap3A = arith.constant 0 : index
    %swap3A_50 = arith.constant 0 : index
    %swap3A_51 = vector.load %arg10[%swap3A, %swap3A_50] : memref<64x128xf32, #tpu.memory_space<vmem>>, vector<64x128xf32>
    tpu.vector_store %arg10[%swap3A, %swap3A_50], %add3A_49 {strides = array<i32>} : memref<64x128xf32, #tpu.memory_space<vmem>>, vector<64x128xf32>,
    %get3A_52 = arith.constant 0 : index
    %get3A_53 = arith.constant 0 : index
    %get3A_54 = vector.load %arg11[%get3A_52, %get3A_53] : memref<64x128xf32, #tpu.memory_space<vmem>>, vector<64x128xf32>
    %reduce_sum3A = arith.constant dense<0.000000e+00> : vector<64xf32>
    %reduce_sum3A_55 = vector.multi_reduction <add>, %convert_element_type3A_43, %reduce_sum3A [1] : vector<64x400xf32> to vector<64xf32>
    %broadcast_in_dim3A = vector.shape_cast %reduce_sum3A_55 : vector<64xf32> to vector<64x1xf32>
    %broadcast_in_dim3A_56 = vector.shape_cast %broadcast_in_dim3A : vector<64x1xf32> to vector<64x1xf32>
    %broadcast_in_dim3A_57 = vector.broadcast %broadcast_in_dim3A_56 : vector<64x1xf32> to vector<64x128xf32>
    %add3A_58 = arith.addf %get3A_54, %broadcast_in_dim3A_57 : vector<64x128xf32>
    %swap3A_59 = arith.constant 0 : index
    %swap3A_60 = arith.constant 0 : index
    %swap3A_61 = vector.load %arg11[%swap3A_59, %swap3A_60] : memref<64x128xf32, #tpu.memory_space<vmem>>, vector<64x128xf32>
    tpu.vector_store %arg11[%swap3A_59, %swap3A_60], %add3A_58 {strides = array<i32>} : memref<64x128xf32, #tpu.memory_space<vmem>>, vector<64x128xf32>,
    %eq3A_62 = arith.constant 24 : i32
    %eq3A_63 = arith.cmpi eq, %arg0, %eq3A_62 : i32
    %convert_element_type3A_64 = arith.extui %eq3A_63 : i1 to i32
    %cond3A_65 = arith.constant 0 : i32
    %cond3A_66 = arith.cmpi ne, %convert_element_type3A_64, %cond3A_65 : i32
    scf.if %cond3A_66 {
      %get3A_67 = arith.constant 0 : index
      %get3A_68 = arith.constant 0 : index
      %get3A_69 = vector.load %arg10[%get3A_67, %get3A_68] : memref<64x128xf32, #tpu.memory_space<vmem>>, vector<64x128xf32>
      %get3A_70 = arith.constant 0 : index
      %get3A_71 = arith.constant 0 : index
      %get3A_72 = vector.load %arg11[%get3A_70, %get3A_71] : memref<64x128xf32, #tpu.memory_space<vmem>>, vector<64x128xf32>
      %max3A_73 = arith.constant 1.000000e+00 : f32
      %max3A_74 = vector.broadcast %max3A_73 : f32 to vector<64x128xf32>
      %max3A_75 = arith.maximumf %get3A_72, %max3A_74 : vector<64x128xf32>
      %div3A = arith.divf %get3A_69, %max3A_75 : vector<64x128xf32>
      %get3A_76 = arith.constant 0 : index
      %get3A_77 = arith.constant 0 : index
      %get3A_78 = vector.load %arg7[%get3A_76, %get3A_77] : memref<10x128xf32, #tpu.memory_space<vmem>>, vector<10x128xf32>
      %dot_general3A_79 = arith.constant dense<0.000000e+00> : vector<64x10xf32>
      %dot_general3A_80 = tpu.matmul %div3A, %get3A_78, %dot_general3A_79 {dimension_numbers = #tpu.dot_dimension_numbers<[1], [1], [0], [0], [0, 0, 1, 0], [], []>, precision = #tpu.contract_precision<fp32>, transpose_lhs_hint = false} : vector<64x128xf32>, vector<10x128xf32>, vector<64x10xf32> -> vector<64x10xf32>
      %get3A_81 = arith.constant 0 : index
      %get3A_82 = arith.constant 0 : index
      %get3A_83 = vector.load %arg8[%get3A_81, %get3A_82] : memref<1x10xf32, #tpu.memory_space<vmem>>, vector<1x10xf32>
      %add3A_84 = vector.broadcast %get3A_83 : vector<1x10xf32> to vector<64x10xf32>
      %add3A_85 = arith.addf %dot_general3A_80, %add3A_84 : vector<64x10xf32>
      %swap3A_86 = arith.constant 0 : index
      %swap3A_87 = arith.constant 0 : index
      %swap3A_88 = vector.load %arg9[%swap3A_86, %swap3A_87] : memref<64x10xf32, #tpu.memory_space<vmem>>, vector<64x10xf32>
      tpu.vector_store %arg9[%swap3A_86, %swap3A_87], %add3A_85 {strides = array<i32>} : memref<64x10xf32, #tpu.memory_space<vmem>>, vector<64x10xf32>,
    } else {
    }
    return
  }
  func.func @transform_0(%arg0: i32) -> (i32, i32, i32) {
    %c0_i32 = arith.constant 0 : i32
    %c0_i32_0 = arith.constant 0 : i32
    %c0_i32_1 = arith.constant 0 : i32
    return %c0_i32, %arg0, %c0_i32_0 : i32, i32, i32
  }
  func.func @transform_1(%arg0: i32) -> (i32, i32) {
    %c0_i32 = arith.constant 0 : i32
    %c0_i32_0 = arith.constant 0 : i32
    return %arg0, %c0_i32 : i32, i32
  }
  func.func @transform_2(%arg0: i32) -> (i32, i32) {
    %c0_i32 = arith.constant 0 : i32
    %c0_i32_0 = arith.constant 0 : i32
    %c0_i32_1 = arith.constant 0 : i32
    return %c0_i32, %c0_i32_0 : i32, i32
  }
  func.func @transform_3(%arg0: i32) -> (i32, i32) {
    %c0_i32 = arith.constant 0 : i32
    %c0_i32_0 = arith.constant 0 : i32
    %c0_i32_1 = arith.constant 0 : i32
    return %c0_i32, %c0_i32_0 : i32, i32
  }
  func.func @transform_4(%arg0: i32) -> (i32, i32) {
    %c0_i32 = arith.constant 0 : i32
    %c0_i32_0 = arith.constant 0 : i32
    %c0_i32_1 = arith.constant 0 : i32
    return %c0_i32, %c0_i32_0 : i32, i32
  }
  func.func @transform_5(%arg0: i32) -> (i32, i32, i32) {
    %c0_i32 = arith.constant 0 : i32
    %c0_i32_0 = arith.constant 0 : i32
    %c0_i32_1 = arith.constant 0 : i32
    return %arg0, %c0_i32, %c0_i32_0 : i32, i32, i32
  }
  func.func @transform_6(%arg0: i32) -> (i32, i32) {
    %c0_i32 = arith.constant 0 : i32
    %c0_i32_0 = arith.constant 0 : i32
    %c0_i32_1 = arith.constant 0 : i32
    return %c0_i32, %c0_i32_0 : i32, i32
  }
  func.func @transform_7(%arg0: i32) -> (i32, i32) {
    %c0_i32 = arith.constant 0 : i32
    %c0_i32_0 = arith.constant 0 : i32
    %c0_i32_1 = arith.constant 0 : i32
    return %c0_i32, %c0_i32_0 : i32, i32
  }
  func.func @transform_8(%arg0: i32) -> (i32, i32) {
    %c0_i32 = arith.constant 0 : i32
    %c0_i32_0 = arith.constant 0 : i32
    %c0_i32_1 = arith.constant 0 : i32
    return %c0_i32, %c0_i32_0 : i32, i32
  }
}

</mosaic_0001>

<sc_bundles>
// kernel: kernel.10.cloned.1.call-start
scs
__scs_entry_jumppad:
0x0: {  	(pc) =	sbr.rel $0x88, $3  }
0x1: {  	(tag) =	ssettag $0x0;
	lr =	simm.s32 $0x1  }
0x2: {  	[smem:$0x3F96] =	sst lr;
	_ =	strace $0xD0000000  }
0x3: {  	_ = 	snop  }
0x4: {  	_ = 	snop  }
0x5: {  	_ = 	snop  }
0x6: {  	_ = 	snop  }
0x7: {  	_ = 	snop  }
__scs_overlays_trampoline_lowered:
0x8: {  	[smem:$0x3FA5] =	sst s0  }
0x9: {  	[smem:$0x3FA6] =	sst s1  }
0xa: {  	[smem:$0x3FA7] =	sst s2  }
0xb: {  	[smem:$0x3FA8] =	sst s3  }
0xc: {  	[smem:$0x3FA9] =	sst s4  }
0xd: {  	[smem:$0x3FAA] =	sst s5  }
0xe: {  	[smem:$0x3FAB] =	sst s6  }
0xf: {  	[smem:$0x3FAC] =	sst s7  }
0x10: {  	[smem:$0x3FAD] =	sst s8  }
0x11: {  	[smem:$0x3FAE] =	sst s9;
	s0 =	simm.s32 @!p0 $0x0  }
0x12: {  	s1 =	sld [smem:$0x3F94];
	s0 =	simm.s32 @p0 $0x1  }
0x13: {  	[smem:$0x3FAF] =	sst s0;
	s0 =	simm.s32 @!p1 $0x0  }
0x14: {  	s2 =	sld [smem:$0x3F93];
	s0 =	simm.s32 @p1 $0x1  }
0x15: {  	[smem:$0x3FB0] =	sst s0;
	s0 =	simm.s32 @!p2 $0x0  }
0x16: {  	s3 =	sld [smem:$0x3FDB];
	s0 =	simm.s32 @p2 $0x1  }
0x17: {  	s4 =	simm.s32 $0x1BF5;
	[smem:$0x3FB2] =	sst s0  }
0x18: {  	s0 =	sld [smem:$0x3F95];
	_ =	swait.ge [sflag:s4], $0x0  }
0x19: {  	s7 =	sld [smem:$0x3F96]  }
0x1a: {  	s8 =	sadd.s32 $0xFFFFE003, lr  }
0x1b: {  	s9 =	sadd.s32 $0xFFFFFEF7, lr;
	s5 =	simm.s32 $0xFFFFFFFF;
	p2 =	slt.u32 s8, $0xFFFFF086  }
0x1c: {  	p1 =	slt.u32 s9, $0xF7A;
	s5 =	simm.s32 @!p2 $0x0  }
0x1d: {  	s5 =	simm.s32 @p1 $0x1;
	p0 =	seq.s32 s7, s2  }
0x1e: {  	s7 =	smul.u32 @!p0 $0xF7A, s2;
	p2 =	seq.s32 @!p0 s5, $0x0  }
0x1f: {  	s9 =	smul.u32 $0xF7A, s1;
	s8 =	simm.s32 @!p0 $0x1BF5;
	p2 =	por !p2, p0  }
0x20: {  	[sflag:s8] =	ssyncset.s32 @!p0 $0xFFFFF086;
	s6 =	sadd.s32 @!p0 s3, s7;
	s7 =	simm.s32 @!p0 $0x108  }
0x21: {  	s3 =	sadd.s32 s3, s9;
	s6 =	sadd.s32 @!p0 $0x88, s6;
	s7 =	simm.s32 @p2 $0x1082  }
0x22: {  	[simem:s7], [sflag:s8] =	dma.local @!p0 [hbm:s6], $0xF7A  }
0x23: {  	s9 =	sor.u32 $0xD0000000, s2;
	s6 =	simm.s32 $0x108;
	_ =	swait.ge @!p0 [sflag:s8], $0x0  }
0x24: {  	s3 =	sadd.s32 $0x88, s3;
	s6 =	simm.s32 @!p1 $0x1082;
	[sflag:s4] =	ssyncset.s32 $0xFFFFF086  }
0x25: {  	[simem:s6], [sflag:s4] =	dma.local [hbm:s3], $0xF7A  }
0x26: {  	[smem:$0x3F96] =	sst s1;
	(tag) =	ssettag s2;
	_ =	strace s9  }
0x27: {  	s1 =	sld [smem:$0x3FA6]  }
0x28: {  	s2 =	sld [smem:$0x3FA7]  }
0x29: {  	s4 =	sld [smem:$0x3FA9]  }
0x2a: {  	p0 =	seq.s32 s5, $0x0;
	s5 =	sld [smem:$0x3FAA]  }
0x2b: {  	s6 =	sld [smem:$0x3FAB]  }
0x2c: {  	s7 =	sld [smem:$0x3FAC]  }
0x2d: {  	s3 =	simm.s32 $0x108;
	s8 =	sld [smem:$0x3FAD]  }
0x2e: {  	s3 =	simm.s32 @!p0 $0x1082;
	s9 =	sld [smem:$0x3FAE]  }
0x2f: {  	lr =	sadd.s32 s0, s3;
	s0 =	sld [smem:$0x3FA5]  }
0x30: {  	s3 =	sld [smem:$0x3FA8]  }
0x31: {  	[smem:$0x3FB1] =	sst s10  }
0x32: {  	s10 =	sld [smem:$0x3FAF];
	_ =	sdelay $0x3  }
0x33: {  	p0 =	seq.s32 s10, $0x1;
	s10 =	sld [smem:$0x3FB1];
	_ =	sdelay $0x3  }
0x34: {  	[smem:$0x3FB1] =	sst s10  }
0x35: {  	s10 =	sld [smem:$0x3FB0];
	_ =	sdelay $0x3  }
0x36: {  	p1 =	seq.s32 s10, $0x1;
	s10 =	sld [smem:$0x3FB1];
	_ =	sdelay $0x3  }
0x37: {  	[smem:$0x3FB1] =	sst s10  }
0x38: {  	s10 =	sld [smem:$0x3FB2]  }
0x39: {  	_ = 	snop;
	(pc) =	sbr.ind lr, $3  }
0x3a: {  	_ = 	snop  }
0x3b: {  	_ = 	snop  }
0x3c: {  	p2 =	seq.s32 s10, $0x1;
	s10 =	sld [smem:$0x3FB1]  }
0x3d: {  	_ =	shalt  }
0x3e: {  	_ =	shalt  }
0x3f: {  	_ =	shalt  }
0x40: {  	_ =	shalt  }
0x41: {  	_ =	shalt  }
0x42: {  	_ =	shalt  }
0x43: {  	_ =	shalt  }
0x44: {  	_ =	shalt  }
0x45: {  	_ =	shalt  }
0x46: {  	_ =	shalt  }
0x47: {  	_ =	shalt  }
0x48: {  	_ =	shalt  }
0x49: {  	_ =	shalt  }
0x4a: {  	_ =	shalt  }
0x4b: {  	_ =	shalt  }
0x4c: {  	_ =	shalt  }
0x4d: {  	_ =	shalt  }
0x4e: {  	_ =	shalt  }
0x4f: {  	_ =	shalt  }
0x50: {  	_ =	shalt  }
0x51: {  	_ =	shalt  }
0x52: {  	_ =	shalt  }
0x53: {  	_ =	shalt  }
0x54: {  	_ =	shalt  }
0x55: {  	_ =	shalt  }
0x56: {  	_ =	shalt  }
0x57: {  	_ =	shalt  }
0x58: {  	_ =	shalt  }
0x59: {  	_ =	shalt  }
0x5a: {  	_ =	shalt  }
0x5b: {  	_ =	shalt  }
0x5c: {  	_ =	shalt  }
0x5d: {  	_ =	shalt  }
0x5e: {  	_ =	shalt  }
0x5f: {  	_ =	shalt  }
0x60: {  	_ =	shalt  }
0x61: {  	_ =	shalt  }
0x62: {  	_ =	shalt  }
0x63: {  	_ =	shalt  }
0x64: {  	_ =	shalt  }
0x65: {  	_ =	shalt  }
0x66: {  	_ =	shalt  }
0x67: {  	_ =	shalt  }
0x68: {  	_ =	shalt  }
0x69: {  	_ =	shalt  }
0x6a: {  	_ =	shalt  }
0x6b: {  	_ =	shalt  }
0x6c: {  	_ =	shalt  }
0x6d: {  	_ =	shalt  }
0x6e: {  	_ =	shalt  }
0x6f: {  	_ =	shalt  }
0x70: {  	_ =	shalt  }
0x71: {  	_ =	shalt  }
0x72: {  	_ =	shalt  }
0x73: {  	_ =	shalt  }
0x74: {  	_ =	shalt  }
0x75: {  	_ =	shalt  }
0x76: {  	_ =	shalt  }
0x77: {  	_ =	shalt  }
0x78: {  	_ =	shalt  }
0x79: {  	_ =	shalt  }
0x7a: {  	_ =	shalt  }
0x7b: {  	_ =	shalt  }
0x7c: {  	_ =	shalt  }
0x7d: {  	_ =	shalt  }
0x7e: {  	_ =	shalt  }
0x7f: {  	_ =	shalt  }
0x80: {  	_ =	shalt  }
0x81: {  	_ =	shalt  }
0x82: {  	_ =	shalt  }
0x83: {  	_ =	shalt  }
0x84: {  	_ =	shalt  }
0x85: {  	_ =	shalt  }
0x86: {  	_ =	shalt  }
0x87: {  	_ =	shalt  }
.Lfunc_end0:
.L_simem_size_0:
called_computation_lowered:
.L_overlay_start_0:
0x88: {  	s2 =	sld [smem:$0x3FD9]  }
0x89: {  	s3 =	sld [smem:$0x3FFE];
	_ =	sdelay $0x1  }
0x8a: {  	s1 =	srdreg.scid  }
0x8b: {  	s0 =	sand.u32 $0x1, s1  }
0x8c: {  	s17 =	sshll.u32 s0, $0xA;
	s2 =	sadd.s32 s3, s2  }
0x8d: {  	s2 =	sadd.s32 s2, s17  }
0x8e: {  	[smem:$0x3FBD] =	sst s2  }
0x8f: {  	_ = 	snop  }
0x90: {  	s2 =	sld [smem:$0x3FC9];
	(tm) =	ssettm $0x1  }
0x91: {  	s18 =	sld [smem:$0x3FFB];
	_ =	sdelay $0x3  }
0x92: {  	_ =	strace s18  }
0x93: {  	s3 =	sld [smem:$0x3FFC];
	_ =	sdelay $0x3  }
0x94: {  	_ =	strace s3  }
0x95: {  	s3 =	sld [smem:$0x3FFD];
	_ =	sdelay $0x3  }
0x96: {  	_ =	strace s3  }
0x97: {  	_ =	strace $0x8FFFFFFF  }
0x98: {  	s19 =	sld [smem:$0x3FDB];
	_ =	sdelay $0x1  }
0x99: {  	s4 =	simm.s32 $_scs_section_size  }
0x9a: {  	s5 =	simm.s32 $_size__tile_overlayer_lowered;
	s6 =	simm.s32 $_tile_overlayer_lowered  }
0x9b: {  	s22 =	simm.s32 $0x1BFF;
	s21 =	sshll.u32 s6, $0x1;
	s3 =	sadd.s32 s4, s19  }
0x9c: {  	s7 =	simm.s32 $0x0;
	s20 =	sshll.u32 s5, $0x1;
	s5 =	sadd.s32 s21, s3  }
0x9d: {  	[timem:s7], [sflag:s22] =	dma.local [hbm:s5], s20  }
0x9e: {  	_ =	swait.ge [sflag:s22], s20  }
0x9f: {  	s4 =	ssub.s32 $0x0, s20;
	[sflag:s22] =	ssyncset.done $0x0  }
0xa0: {  	[sflag:s22] =	ssyncadd.s32 s4;
	_ =	sdelay $0x1  }
0xa1: {  	s23 =	simm.s32 $0x1B8B  }
0xa2: {  	_ =	swait.ge [sflag:s23], $0x1  }
0xa3: {  	[sflag:s23] =	ssyncset.done $0x0  }
0xa4: {  	s25 =	simm.s32 $0x1B8E;
	s24 =	sld [smem:$0x3FFE];
	[sflag:s23] =	ssyncadd.s32 $0xFFFFFFFF  }
0xa5: {  	s26 =	simm.s32 $execute0_lowered;
	[smem:$0x3FD2] =	sst s25  }
0xa6: {  	s5 =	sshll.u32 s26, $0x1;
	_ =	strace $0x80000046;
	[dreg:$0x1] =	wrdreg $0xFFFFFFFF  }
0xa7: {  	s28 =	simm.s32 $_size_execute0_lowered;
	s3 =	sadd.s32 s3, s5;
	[dreg:$0x0] =	wrdreg $0x0  }
0xa8: {  	s5 =	sshll.u32 s28, $0x1;
	[dreg:$0x2] =	wrdreg s3  }
0xa9: {  	[dreg:$0x3] =	wrdreg s5  }
0xaa: {  	[dreg:$0x4] =	wrdreg $0xC0  }
0xab: {  	_ =	task [dreg:s7], $0x5FFFF  }
0xac: {  	[dreg:$0x1] =	wrdreg $0xFFFFFFFF  }
0xad: {  	[dreg:$0x0] =	wrdreg $0x60  }
0xae: {  	[dreg:$0x2] =	wrdreg s2  }
0xaf: {  	[dreg:$0x3] =	wrdreg s24  }
0xb0: {  	[dreg:$0x4] =	wrdreg $0xA8000  }
0xb1: {  	[dreg:$0x5] =	wrdreg $0x9  }
0xb2: {  	_ =	task.clear_ibuf [dreg:s7], $0x6FFFF;
	_ =	strace $0x90000046  }
0xb3: {  	s29 =	simm.s32 $0x9;
	_ =	strace $0x80000048  }
0xb4: {  	_ =	swait.ge [sflag:s29], $0x1  }
0xb5: {  	[sflag:s29] =	ssyncadd.s32 $0xFFFFFFFF  }
0xb6: {  	_ =	strace $0x90000048  }
0xb7: {  	_ =	sfence  }
0xb8: {  	s30 =	sld [smem:$0x0];
	_ =	sdelay $0x2  }
0xb9: {  	s31 =	sshll.u32 s1, $0xD;
	s1 =	sshrl.u32 s1, $0x2  }
0xba: {  	s3 =	sand.u32 $0x4000, s31;
	s1 =	sadd.s32 s1, s30  }
0xbb: {  	s0 =	sor.u32 s3, s0;
	s1 =	sshll.u32 s1, $0x11  }
0xbc: {  	s0 =	sor.u32 s1, s0  }
0xbd: {  	s0 =	sadd.s32 $0x8F2B, s0  }
0xbe: {  	[sflag:s0] =	ssyncadd.remote.s32 $0x1  }
0xbf: {  	_ =	sfence.sel $0xFFFF  }
0xc0: {  	[dreg:$0x0] =	wrdreg $0xFFFFFFFF;
	(pc) =	sbr.abs _section_cstart, $3  }
0xc1: {  	[dreg:$0x1] =	wrdreg $0xFFFFFFFF  }
0xc2: {  	_ =	task.clear_ibuf [dreg:s7], $0x2FFFF;
	_ =	strace $0x9FFFFFFF  }
0xc3: {  	(tm) =	ssettm $0x7FFFFFFF  }
tec
execute0_lowered:
.L_overlay_start_1:
0x0: {  	(tag) =	ssettag $0x1  }
0x1: {  	s1 =	rddreg [dreg:$0x0]  }
0x2: {  	s6 =	rddreg [dreg:$0x1]  }
0x3: {  	s3 =	rddreg [dreg:$0x2]  }
0x4: {  	s0 =	rddreg [dreg:$0x3];
	s5 =	srdreg.scid  }
0x5: {  	s4 =	simm.s32 $0x0;
	s2 =	stileid.u32;
	s13 =	simm.s32 $0x50  }
0x6: {  	s14 =	simm.s32 $0x8000;
	s15 =	simm.s32 $0x1;
	s5 =	sand.u32 $0x1, s5  }
0x7: {  	[smem:$0x7FF] =	sst s4;
	s8 =	sshll.u32 s2, $0xB;
	s10 =	smul.u32 $0x4F000, s2  }
0x8: {  	s31 =	sshll.u32 s2, $0x6;
	s17 =	smul.u32 $0x2780, s2;
	s7 =	sshll.u32 s5, $0xF  }
0x9: {  	_ =	strace $0x80000047;
	s26 =	smul.u32 $0x27800, s5;
	s28 =	ssub.s32 $0x2, s5  }
0xa: {  	s5 =	sadd.s32 $0x23600, s6;
	s7 =	sor.u32 s8, s7;
	s29 =	sshrl.u32 s28, $0x1  }
0xb: {  	s30 =	sshrl.u32 s10, $0x2;
	s9 =	sadd.s32 s7, s6;
	s11 =	sadd.s32 s26, s6  }
0xc: {  	s12 =	ssub.s32 s28, s29;
	s10 =	sadd.s32 s30, s3;
	s6 =	sor.u32 $0x1C02, s31  }
0xd: {  	s7 =	sadd.s32 $0x3600, s9;
	s8 =	sadd.s32 $0x13600, s9;
	s16 =	sadd.s32 $0x25E00, s11  }
0xe: {  	s9 =	smax.u32 s12, $0x1;
	s10 =	sshrl.u32 s10, $0x3;
	s11 =	simm.s32 $0x2  }
0xf: {  	s12 =	simm.s32 $0x4000;
	s16 =	sadd.s32 s17, s16;
	s17 =	simm.s32 $0x0  }
.LBB2_1:
0x10: {  	[spmem:s10], [sflag:s6] =	dma.local [hbm:s5], $0x2780  }
0x11: {  	_ =	swait.ge [sflag:s11], $0x2780  }
0x12: {  	[sflag:s11] =	ssyncset.done $0x0  }
0x13: {  	[sflag:s11] =	ssyncadd.s32 $0xFFFFD880  }
0x14: {  	[tilespmem:s4], [sflag:$0x2] =	stream.linear.gather [hbm4b:s7+s4], $0x3E80, $0x38;
	[tilespmem:$0x1E400] =	vst v63  }
0x15: {  	_ =	swait.ge [sflag:s11], $0x3E80  }
0x16: {  	[sflag:s11] =	ssyncset.done $0x0  }
0x17: {  	[sflag:s11] =	ssyncadd.s32 $0xFFFFC180  }
0x18: {  	[tilespmem:s12], [sflag:$0x2] =	stream.linear.gather [hbm4b:s8+s4], $0x3E80, $0x38;
	[tilespmem:$0x1E400] =	vst v63  }
0x19: {  	_ =	swait.ge [sflag:s11], $0x3E80  }
0x1a: {  	[sflag:s11] =	ssyncset.done $0x0  }
0x1b: {  	[sflag:s11] =	ssyncadd.s32 $0xFFFFC180  }
0x1c: {  	s18 =	simm.s32 $0x0;
	[bflag:$0x0] =	sbarrier.arrive $0xFFFF  }
0x1d: {  	[tilespmem:s14], [sflag:$0x1] =	stream.indirect.gather [hbm4b:s1+s13], $0x80, s18, s13, $0xb8;
	[tilespmem:$0x1E400] =	vst v63  }
0x1e: {  	_ =	swait.ge [sflag:s15], $0x2800  }
0x1f: {  	[sflag:s15] =	ssyncset.done $0x0  }
0x20: {  	s31 =	simm.s32 $0x4000;
	[sflag:s15] =	ssyncadd.s32 $0xFFFFD800  }
0x21: {  	[spmem:s3] =	stream.indirect.scatter.add.f32 [tilespmem:s14], [sflag:$0x2], $0x80, s31, s13, $0xb8;
	[tilespmem:$0x1E400] =	vst v63  }
0x22: {  	_ =	swait.ge [sflag:s11], $0x2800  }
0x23: {  	s19 =	simm.s32 $0x400;
	s18 =	simm.s32 $0x200;
	[sflag:s11] =	ssyncset.done $0x0  }
.LBB2_2:
0x24: {  	s20 =	sshra.s32 s18, $0x2  }
0x25: {  	[sflag:s11] =	ssyncadd.s32 $0xFFFFD800;
	s18 =	smov.u32 s19;
	s21 =	sadd.s32 $0x200, s19  }
0x26: {  	[tilespmem:s14], [sflag:$0x1] =	stream.indirect.gather [hbm4b:s1+s13], $0x80, s20, s13, $0xb8;
	[tilespmem:$0x1E400] =	vst v63  }
0x27: {  	p0 =	sne.s32 s19, $0xF800;
	_ =	swait.ge [sflag:s15], $0x2800  }
.Ltmp0:
0x28: {  	[sflag:s15] =	ssyncset.done $0x0;
	(pc) =	sbr.rel @p0 .LBB2_2-.Ltmp0, $4  }
0x29: {  	s19 =	sadd.s32 $0x4000, s20;
	[sflag:s15] =	ssyncadd.s32 $0xFFFFD800  }
0x2a: {  	[spmem:s3] =	stream.indirect.scatter.add.f32 [tilespmem:s14], [sflag:$0x2], $0x80, s19, s13, $0xb8;
	[tilespmem:$0x1E400] =	vst v63  }
0x2b: {  	_ =	swait.ge [sflag:s11], $0x2800  }
0x2c: {  	s19 =	smov.u32 s21;
	[sflag:s11] =	ssyncset.done $0x0  }
0x2d: {  	s18 =	sshra.s32 s18, $0x2;
	[sflag:s11] =	ssyncadd.s32 $0xFFFFD800  }
0x2e: {  	[tilespmem:s14], [sflag:$0x1] =	stream.indirect.gather [hbm4b:s1+s13], $0x80, s18, s13, $0xb8;
	[tilespmem:$0x1E400] =	vst v63  }
0x2f: {  	_ =	swait.ge [sflag:s15], $0x2800  }
0x30: {  	[sflag:s15] =	ssyncset.done $0x0  }
0x31: {  	s18 =	sadd.s32 $0x4000, s18;
	[sflag:s15] =	ssyncadd.s32 $0xFFFFD800  }
0x32: {  	[spmem:s3] =	stream.indirect.scatter.add.f32 [tilespmem:s14], [sflag:$0x2], $0x80, s18, s13, $0xb8;
	[tilespmem:$0x1E400] =	vst v63  }
0x33: {  	_ =	swait.ge [sflag:s11], $0x2800  }
0x34: {  	s17 =	sadd.s32 $0x1, s17;
	[sflag:s11] =	ssyncset.done $0x0  }
0x35: {  	p0 =	sne.s32 s17, s9;
	[sflag:s11] =	ssyncadd.s32 $0xFFFFD800  }
.Ltmp1:
0x36: {  	[bflag:$0x0] =	sbarrier.arrive $0xFFFF;
	(pc) =	sbr.rel @p0 .LBB2_1-.Ltmp1, $4  }
0x37: {  	[hbm:s16], [sflag:s6] =	dma.local [spmem:s10], $0x2780  }
0x38: {  	_ =	swait.ge [sflag:s11], $0x2780  }
0x39: {  	[sflag:s11] =	ssyncset.done $0x0  }
0x3a: {  	[sflag:s11] =	ssyncadd.s32 $0xFFFFD880  }
0x3b: {  	_ =	sfence.sel $0x180000  }
0x3c: {  	[bflag:$0x0] =	sbarrier.arrive $0xFFFF  }
0x3d: {  	p0 =	sne.s32 s2, $0x0;
	_ =	strace $0x90000047  }
0x3e: {  	s0 =	sadd.s32 @!p0 $0x100000, s0;
	[bflag:$0x2] =	sbarrier.arrive $0xFFFF  }
0x3f: {  	[sflag:s0] =	ssyncadd.tile.s32 @!p0 $0x1;
	_ =	shalt  }
.Lfunc_end2:
_tile_overlayer_lowered:
.L_overlay_start_2:
0x40: {  	(tag) =	ssettag $0x2  }
0x41: {  	s0 =	rddreg [dreg:$0x0];
	s2 =	stileid.u32  }
0x42: {  	s1 =	rddreg [dreg:$0x1];
	p0 =	sne.s32 s2, $0x0  }
0x43: {  	s3 =	rddreg [dreg:$0x2];
	[bflag:$0x3] =	sbarrier.arrive $0xFFFF;
	s2 =	simm.s32 @!p0 $0x1C02  }
0x44: {  	[timem:s3], [sflag:s2] =	dma.local @!p0 [hbm:s0], s1  }
0x45: {  	s0 =	simm.s32 @!p0 $0x2  }
0x46: {  	_ =	swait.ge @!p0 [sflag:s0], s1  }
0x47: {  	s1 =	ssub.s32 @!p0 $0x0, s1;
	[sflag:s0] =	ssyncset.done @!p0 $0x0  }
0x48: {  	[sflag:s0] =	ssyncadd.s32 @!p0 s1  }
0x49: {  	[bflag:$0x3] =	sbarrier.arrive $0xFFFF  }
0x4a: {  	_ =	shalt  }

// kernel: kernel.13.cloned.1.call-start
scs
__scs_entry_jumppad:
0x0: {  	(pc) =	sbr.rel $0x88, $3  }
0x1: {  	(tag) =	ssettag $0x0;
	lr =	simm.s32 $0x1  }
0x2: {  	[smem:$0x3F96] =	sst lr;
	_ =	strace $0xD0000000  }
0x3: {  	_ = 	snop  }
0x4: {  	_ = 	snop  }
0x5: {  	_ = 	snop  }
0x6: {  	_ = 	snop  }
0x7: {  	_ = 	snop  }
__scs_overlays_trampoline_lowered:
0x8: {  	[smem:$0x3FA5] =	sst s0  }
0x9: {  	[smem:$0x3FA6] =	sst s1  }
0xa: {  	[smem:$0x3FA7] =	sst s2  }
0xb: {  	[smem:$0x3FA8] =	sst s3  }
0xc: {  	[smem:$0x3FA9] =	sst s4  }
0xd: {  	[smem:$0x3FAA] =	sst s5  }
0xe: {  	[smem:$0x3FAB] =	sst s6  }
0xf: {  	[smem:$0x3FAC] =	sst s7  }
0x10: {  	[smem:$0x3FAD] =	sst s8  }
0x11: {  	[smem:$0x3FAE] =	sst s9;
	s0 =	simm.s32 @!p0 $0x0  }
0x12: {  	s1 =	sld [smem:$0x3F94];
	s0 =	simm.s32 @p0 $0x1  }
0x13: {  	[smem:$0x3FAF] =	sst s0;
	s0 =	simm.s32 @!p1 $0x0  }
0x14: {  	s2 =	sld [smem:$0x3F93];
	s0 =	simm.s32 @p1 $0x1  }
0x15: {  	[smem:$0x3FB0] =	sst s0;
	s0 =	simm.s32 @!p2 $0x0  }
0x16: {  	s3 =	sld [smem:$0x3FDB];
	s0 =	simm.s32 @p2 $0x1  }
0x17: {  	s4 =	simm.s32 $0x1BF5;
	[smem:$0x3FB2] =	sst s0  }
0x18: {  	s0 =	sld [smem:$0x3F95];
	_ =	swait.ge [sflag:s4], $0x0  }
0x19: {  	s7 =	sld [smem:$0x3F96]  }
0x1a: {  	s8 =	sadd.s32 $0xFFFFE003, lr  }
0x1b: {  	s9 =	sadd.s32 $0xFFFFFEF7, lr;
	s5 =	simm.s32 $0xFFFFFFFF;
	p2 =	slt.u32 s8, $0xFFFFF086  }
0x1c: {  	p1 =	slt.u32 s9, $0xF7A;
	s5 =	simm.s32 @!p2 $0x0  }
0x1d: {  	s5 =	simm.s32 @p1 $0x1;
	p0 =	seq.s32 s7, s2  }
0x1e: {  	s7 =	smul.u32 @!p0 $0xF7A, s2;
	p2 =	seq.s32 @!p0 s5, $0x0  }
0x1f: {  	s9 =	smul.u32 $0xF7A, s1;
	s8 =	simm.s32 @!p0 $0x1BF5;
	p2 =	por !p2, p0  }
0x20: {  	[sflag:s8] =	ssyncset.s32 @!p0 $0xFFFFF086;
	s6 =	sadd.s32 @!p0 s3, s7;
	s7 =	simm.s32 @!p0 $0x108  }
0x21: {  	s3 =	sadd.s32 s3, s9;
	s6 =	sadd.s32 @!p0 $0x88, s6;
	s7 =	simm.s32 @p2 $0x1082  }
0x22: {  	[simem:s7], [sflag:s8] =	dma.local @!p0 [hbm:s6], $0xF7A  }
0x23: {  	s9 =	sor.u32 $0xD0000000, s2;
	s6 =	simm.s32 $0x108;
	_ =	swait.ge @!p0 [sflag:s8], $0x0  }
0x24: {  	s3 =	sadd.s32 $0x88, s3;
	s6 =	simm.s32 @!p1 $0x1082;
	[sflag:s4] =	ssyncset.s32 $0xFFFFF086  }
0x25: {  	[simem:s6], [sflag:s4] =	dma.local [hbm:s3], $0xF7A  }
0x26: {  	[smem:$0x3F96] =	sst s1;
	(tag) =	ssettag s2;
	_ =	strace s9  }
0x27: {  	s1 =	sld [smem:$0x3FA6]  }
0x28: {  	s2 =	sld [smem:$0x3FA7]  }
0x29: {  	s4 =	sld [smem:$0x3FA9]  }
0x2a: {  	p0 =	seq.s32 s5, $0x0;
	s5 =	sld [smem:$0x3FAA]  }
0x2b: {  	s6 =	sld [smem:$0x3FAB]  }
0x2c: {  	s7 =	sld [smem:$0x3FAC]  }
0x2d: {  	s3 =	simm.s32 $0x108;
	s8 =	sld [smem:$0x3FAD]  }
0x2e: {  	s3 =	simm.s32 @!p0 $0x1082;
	s9 =	sld [smem:$0x3FAE]  }
0x2f: {  	lr =	sadd.s32 s0, s3;
	s0 =	sld [smem:$0x3FA5]  }
0x30: {  	s3 =	sld [smem:$0x3FA8]  }
0x31: {  	[smem:$0x3FB1] =	sst s10  }
0x32: {  	s10 =	sld [smem:$0x3FAF];
	_ =	sdelay $0x3  }
0x33: {  	p0 =	seq.s32 s10, $0x1;
	s10 =	sld [smem:$0x3FB1];
	_ =	sdelay $0x3  }
0x34: {  	[smem:$0x3FB1] =	sst s10  }
0x35: {  	s10 =	sld [smem:$0x3FB0];
	_ =	sdelay $0x3  }
0x36: {  	p1 =	seq.s32 s10, $0x1;
	s10 =	sld [smem:$0x3FB1];
	_ =	sdelay $0x3  }
0x37: {  	[smem:$0x3FB1] =	sst s10  }
0x38: {  	s10 =	sld [smem:$0x3FB2]  }
0x39: {  	_ = 	snop;
	(pc) =	sbr.ind lr, $3  }
0x3a: {  	_ = 	snop  }
0x3b: {  	_ = 	snop  }
0x3c: {  	p2 =	seq.s32 s10, $0x1;
	s10 =	sld [smem:$0x3FB1]  }
0x3d: {  	_ =	shalt  }
0x3e: {  	_ =	shalt  }
0x3f: {  	_ =	shalt  }
0x40: {  	_ =	shalt  }
0x41: {  	_ =	shalt  }
0x42: {  	_ =	shalt  }
0x43: {  	_ =	shalt  }
0x44: {  	_ =	shalt  }
0x45: {  	_ =	shalt  }
0x46: {  	_ =	shalt  }
0x47: {  	_ =	shalt  }
0x48: {  	_ =	shalt  }
0x49: {  	_ =	shalt  }
0x4a: {  	_ =	shalt  }
0x4b: {  	_ =	shalt  }
0x4c: {  	_ =	shalt  }
0x4d: {  	_ =	shalt  }
0x4e: {  	_ =	shalt  }
0x4f: {  	_ =	shalt  }
0x50: {  	_ =	shalt  }
0x51: {  	_ =	shalt  }
0x52: {  	_ =	shalt  }
0x53: {  	_ =	shalt  }
0x54: {  	_ =	shalt  }
0x55: {  	_ =	shalt  }
0x56: {  	_ =	shalt  }
0x57: {  	_ =	shalt  }
0x58: {  	_ =	shalt  }
0x59: {  	_ =	shalt  }
0x5a: {  	_ =	shalt  }
0x5b: {  	_ =	shalt  }
0x5c: {  	_ =	shalt  }
0x5d: {  	_ =	shalt  }
0x5e: {  	_ =	shalt  }
0x5f: {  	_ =	shalt  }
0x60: {  	_ =	shalt  }
0x61: {  	_ =	shalt  }
0x62: {  	_ =	shalt  }
0x63: {  	_ =	shalt  }
0x64: {  	_ =	shalt  }
0x65: {  	_ =	shalt  }
0x66: {  	_ =	shalt  }
0x67: {  	_ =	shalt  }
0x68: {  	_ =	shalt  }
0x69: {  	_ =	shalt  }
0x6a: {  	_ =	shalt  }
0x6b: {  	_ =	shalt  }
0x6c: {  	_ =	shalt  }
0x6d: {  	_ =	shalt  }
0x6e: {  	_ =	shalt  }
0x6f: {  	_ =	shalt  }
0x70: {  	_ =	shalt  }
0x71: {  	_ =	shalt  }
0x72: {  	_ =	shalt  }
0x73: {  	_ =	shalt  }
0x74: {  	_ =	shalt  }
0x75: {  	_ =	shalt  }
0x76: {  	_ =	shalt  }
0x77: {  	_ =	shalt  }
0x78: {  	_ =	shalt  }
0x79: {  	_ =	shalt  }
0x7a: {  	_ =	shalt  }
0x7b: {  	_ =	shalt  }
0x7c: {  	_ =	shalt  }
0x7d: {  	_ =	shalt  }
0x7e: {  	_ =	shalt  }
0x7f: {  	_ =	shalt  }
0x80: {  	_ =	shalt  }
0x81: {  	_ =	shalt  }
0x82: {  	_ =	shalt  }
0x83: {  	_ =	shalt  }
0x84: {  	_ =	shalt  }
0x85: {  	_ =	shalt  }
0x86: {  	_ =	shalt  }
0x87: {  	_ =	shalt  }
.Lfunc_end0:
.L_simem_size_0:
called_computation.1_lowered:
.L_overlay_start_0:
0x88: {  	s2 =	sld [smem:$0x3FD9]  }
0x89: {  	s3 =	sld [smem:$0x3FFE];
	_ =	sdelay $0x1  }
0x8a: {  	s1 =	srdreg.scid  }
0x8b: {  	s0 =	sand.u32 $0x1, s1  }
0x8c: {  	s16 =	sshll.u32 s0, $0xA;
	s2 =	sadd.s32 s3, s2  }
0x8d: {  	s2 =	sadd.s32 s2, s16  }
0x8e: {  	[smem:$0x3FBD] =	sst s2  }
0x8f: {  	_ = 	snop  }
0x90: {  	(tm) =	ssettm $0x1  }
0x91: {  	s17 =	sld [smem:$0x3FFB];
	_ =	sdelay $0x3  }
0x92: {  	_ =	strace s17  }
0x93: {  	s2 =	sld [smem:$0x3FFC];
	_ =	sdelay $0x3  }
0x94: {  	_ =	strace s2  }
0x95: {  	s2 =	sld [smem:$0x3FFD];
	_ =	sdelay $0x3  }
0x96: {  	_ =	strace s2  }
0x97: {  	_ =	strace $0x8FFFFFFF  }
0x98: {  	s18 =	sld [smem:$0x3FDB];
	_ =	sdelay $0x1  }
0x99: {  	s19 =	simm.s32 $_scs_section_size  }
0x9a: {  	s4 =	simm.s32 $_size__tile_overlayer_lowered;
	s5 =	simm.s32 $_tile_overlayer_lowered  }
0x9b: {  	s22 =	simm.s32 $0x1BFF;
	s21 =	sshll.u32 s5, $0x1;
	s2 =	sadd.s32 s19, s18  }
0x9c: {  	s6 =	simm.s32 $0x0;
	s20 =	sshll.u32 s4, $0x1;
	s4 =	sadd.s32 s21, s2  }
0x9d: {  	[timem:s6], [sflag:s22] =	dma.local [hbm:s4], s20  }
0x9e: {  	_ =	swait.ge [sflag:s22], s20  }
0x9f: {  	s3 =	ssub.s32 $0x0, s20;
	[sflag:s22] =	ssyncset.done $0x0  }
0xa0: {  	[sflag:s22] =	ssyncadd.s32 s3;
	_ =	sdelay $0x1  }
0xa1: {  	s23 =	simm.s32 $0x1B8B  }
0xa2: {  	_ =	swait.ge [sflag:s23], $0x1  }
0xa3: {  	[sflag:s23] =	ssyncset.done $0x0  }
0xa4: {  	s25 =	simm.s32 $0x1B8E;
	s24 =	sld [smem:$0x3FFE];
	[sflag:s23] =	ssyncadd.s32 $0xFFFFFFFF  }
0xa5: {  	s26 =	simm.s32 $execute0_lowered;
	[smem:$0x3FD2] =	sst s25  }
0xa6: {  	s4 =	sshll.u32 s26, $0x1;
	_ =	strace $0x80000049;
	[dreg:$0x1] =	wrdreg $0xFFFFFFFF  }
0xa7: {  	s28 =	simm.s32 $_size_execute0_lowered;
	s2 =	sadd.s32 s2, s4;
	[dreg:$0x0] =	wrdreg $0x0  }
0xa8: {  	s4 =	sshll.u32 s28, $0x1;
	[dreg:$0x2] =	wrdreg s2  }
0xa9: {  	[dreg:$0x3] =	wrdreg s4  }
0xaa: {  	[dreg:$0x4] =	wrdreg $0xC0  }
0xab: {  	_ =	task [dreg:s6], $0x5FFFF  }
0xac: {  	[dreg:$0x1] =	wrdreg $0xFFFFFFFF  }
0xad: {  	[dreg:$0x0] =	wrdreg $0x60  }
0xae: {  	[dreg:$0x2] =	wrdreg s24  }
0xaf: {  	[dreg:$0x3] =	wrdreg $0xA8000  }
0xb0: {  	[dreg:$0x4] =	wrdreg $0x9  }
0xb1: {  	_ =	task.clear_ibuf [dreg:s6], $0x5FFFF;
	_ =	strace $0x90000049  }
0xb2: {  	s29 =	simm.s32 $0x9;
	_ =	strace $0x8000004B  }
0xb3: {  	_ =	swait.ge [sflag:s29], $0x1  }
0xb4: {  	[sflag:s29] =	ssyncadd.s32 $0xFFFFFFFF  }
0xb5: {  	_ =	strace $0x9000004B  }
0xb6: {  	_ =	sfence  }
0xb7: {  	s30 =	sld [smem:$0x0];
	_ =	sdelay $0x2  }
0xb8: {  	s31 =	sshll.u32 s1, $0xD;
	s1 =	sshrl.u32 s1, $0x2  }
0xb9: {  	s3 =	sand.u32 $0x4000, s31;
	s1 =	sadd.s32 s1, s30  }
0xba: {  	s0 =	sor.u32 s3, s0;
	s1 =	sshll.u32 s1, $0x11  }
0xbb: {  	s0 =	sor.u32 s1, s0  }
0xbc: {  	s0 =	sadd.s32 $0x8F2B, s0  }
0xbd: {  	[sflag:s0] =	ssyncadd.remote.s32 $0x1  }
0xbe: {  	_ =	sfence.sel $0xFFFF  }
0xbf: {  	[dreg:$0x0] =	wrdreg $0xFFFFFFFF;
	(pc) =	sbr.abs _section_cstart, $3  }
0xc0: {  	[dreg:$0x1] =	wrdreg $0xFFFFFFFF  }
0xc1: {  	_ =	task.clear_ibuf [dreg:s6], $0x2FFFF;
	_ =	strace $0x9FFFFFFF  }
0xc2: {  	(tm) =	ssettm $0x7FFFFFFF  }
0xc3: {  	_ =	shalt  }
tec
execute0_lowered:
.L_overlay_start_1:
0x0: {  	(tag) =	ssettag $0x1  }
0x1: {  	s6 =	rddreg [dreg:$0x0]  }
0x2: {  	s1 =	rddreg [dreg:$0x1]  }
0x3: {  	s0 =	rddreg [dreg:$0x2];
	s3 =	simm.s32 $0x0;
	s4 =	srdreg.scid  }
0x4: {  	s2 =	stileid.u32;
	s13 =	simm.s32 $0x50;
	s14 =	simm.s32 $0x8000  }
0x5: {  	s15 =	simm.s32 $0x1;
	[smem:$0x7FF] =	sst s3;
	s5 =	sand.u32 $0x1, s4  }
0x6: {  	s8 =	sshll.u32 s2, $0xB;
	s4 =	sadd.s32 $0x25E00, s6;
	s10 =	smul.u32 $0x4F000, s2  }
0x7: {  	s31 =	sshll.u32 s2, $0x6;
	s17 =	smul.u32 $0x2780, s2;
	_ =	strace $0x8000004A  }
0x8: {  	s7 =	sshll.u32 s5, $0xF;
	s26 =	smul.u32 $0x27800, s5;
	s28 =	ssub.s32 $0x2, s5  }
0x9: {  	s5 =	sadd.s32 $0x23600, s6;
	s7 =	sor.u32 s8, s7;
	s29 =	sshrl.u32 s28, $0x1  }
0xa: {  	s30 =	sshrl.u32 s10, $0x2;
	s9 =	sadd.s32 s7, s6;
	s11 =	sadd.s32 s26, s6  }
0xb: {  	s12 =	ssub.s32 s28, s29;
	s10 =	sadd.s32 s30, s1;
	s6 =	sor.u32 $0x1C02, s31  }
0xc: {  	s7 =	sadd.s32 $0x3600, s9;
	s8 =	sadd.s32 $0x13600, s9;
	s16 =	sadd.s32 $0x4D000, s11  }
0xd: {  	s9 =	smax.u32 s12, $0x1;
	s10 =	sshrl.u32 s10, $0x3;
	s11 =	simm.s32 $0x2  }
0xe: {  	s12 =	simm.s32 $0x4000;
	s16 =	sadd.s32 s17, s16;
	s17 =	simm.s32 $0x0  }
.LBB2_1:
0xf: {  	[spmem:s10], [sflag:s6] =	dma.local [hbm:s5], $0x2780  }
0x10: {  	_ =	swait.ge [sflag:s11], $0x2780  }
0x11: {  	[sflag:s11] =	ssyncset.done $0x0  }
0x12: {  	[sflag:s11] =	ssyncadd.s32 $0xFFFFD880  }
0x13: {  	[tilespmem:s3], [sflag:$0x2] =	stream.linear.gather [hbm4b:s7+s3], $0x3E80, $0x38;
	[tilespmem:$0x1E400] =	vst v63  }
0x14: {  	_ =	swait.ge [sflag:s11], $0x3E80  }
0x15: {  	[sflag:s11] =	ssyncset.done $0x0  }
0x16: {  	[sflag:s11] =	ssyncadd.s32 $0xFFFFC180  }
0x17: {  	[tilespmem:s12], [sflag:$0x2] =	stream.linear.gather [hbm4b:s8+s3], $0x3E80, $0x38;
	[tilespmem:$0x1E400] =	vst v63  }
0x18: {  	_ =	swait.ge [sflag:s11], $0x3E80  }
0x19: {  	[sflag:s11] =	ssyncset.done $0x0  }
0x1a: {  	[sflag:s11] =	ssyncadd.s32 $0xFFFFC180  }
0x1b: {  	s18 =	simm.s32 $0x0;
	[bflag:$0x0] =	sbarrier.arrive $0xFFFF  }
0x1c: {  	[tilespmem:s14], [sflag:$0x1] =	stream.indirect.gather [hbm4b:s4+s13], $0x80, s18, s13, $0xb8;
	[tilespmem:$0x1E400] =	vst v63  }
0x1d: {  	_ =	swait.ge [sflag:s15], $0x2800  }
0x1e: {  	[sflag:s15] =	ssyncset.done $0x0  }
0x1f: {  	s31 =	simm.s32 $0x4000;
	[sflag:s15] =	ssyncadd.s32 $0xFFFFD800  }
0x20: {  	[spmem:s1] =	stream.indirect.scatter.add.f32 [tilespmem:s14], [sflag:$0x2], $0x80, s31, s13, $0xb8;
	[tilespmem:$0x1E400] =	vst v63  }
0x21: {  	_ =	swait.ge [sflag:s11], $0x2800  }
0x22: {  	s19 =	simm.s32 $0x400;
	s18 =	simm.s32 $0x200;
	[sflag:s11] =	ssyncset.done $0x0  }
.LBB2_2:
0x23: {  	s20 =	sshra.s32 s18, $0x2  }
0x24: {  	[sflag:s11] =	ssyncadd.s32 $0xFFFFD800;
	s18 =	smov.u32 s19;
	s21 =	sadd.s32 $0x200, s19  }
0x25: {  	[tilespmem:s14], [sflag:$0x1] =	stream.indirect.gather [hbm4b:s4+s13], $0x80, s20, s13, $0xb8;
	[tilespmem:$0x1E400] =	vst v63  }
0x26: {  	p0 =	sne.s32 s19, $0xF800;
	_ =	swait.ge [sflag:s15], $0x2800  }
.Ltmp0:
0x27: {  	[sflag:s15] =	ssyncset.done $0x0;
	(pc) =	sbr.rel @p0 .LBB2_2-.Ltmp0, $4  }
0x28: {  	s19 =	sadd.s32 $0x4000, s20;
	[sflag:s15] =	ssyncadd.s32 $0xFFFFD800  }
0x29: {  	[spmem:s1] =	stream.indirect.scatter.add.f32 [tilespmem:s14], [sflag:$0x2], $0x80, s19, s13, $0xb8;
	[tilespmem:$0x1E400] =	vst v63  }
0x2a: {  	_ =	swait.ge [sflag:s11], $0x2800  }
0x2b: {  	s19 =	smov.u32 s21;
	[sflag:s11] =	ssyncset.done $0x0  }
0x2c: {  	s18 =	sshra.s32 s18, $0x2;
	[sflag:s11] =	ssyncadd.s32 $0xFFFFD800  }
0x2d: {  	[tilespmem:s14], [sflag:$0x1] =	stream.indirect.gather [hbm4b:s4+s13], $0x80, s18, s13, $0xb8;
	[tilespmem:$0x1E400] =	vst v63  }
0x2e: {  	_ =	swait.ge [sflag:s15], $0x2800  }
0x2f: {  	[sflag:s15] =	ssyncset.done $0x0  }
0x30: {  	s18 =	sadd.s32 $0x4000, s18;
	[sflag:s15] =	ssyncadd.s32 $0xFFFFD800  }
0x31: {  	[spmem:s1] =	stream.indirect.scatter.add.f32 [tilespmem:s14], [sflag:$0x2], $0x80, s18, s13, $0xb8;
	[tilespmem:$0x1E400] =	vst v63  }
0x32: {  	_ =	swait.ge [sflag:s11], $0x2800  }
0x33: {  	s17 =	sadd.s32 $0x1, s17;
	[sflag:s11] =	ssyncset.done $0x0  }
0x34: {  	p0 =	sne.s32 s17, s9;
	[sflag:s11] =	ssyncadd.s32 $0xFFFFD800  }
.Ltmp1:
0x35: {  	[bflag:$0x0] =	sbarrier.arrive $0xFFFF;
	(pc) =	sbr.rel @p0 .LBB2_1-.Ltmp1, $4  }
0x36: {  	[hbm:s16], [sflag:s6] =	dma.local [spmem:s10], $0x2780  }
0x37: {  	_ =	swait.ge [sflag:s11], $0x2780  }
0x38: {  	[sflag:s11] =	ssyncset.done $0x0  }
0x39: {  	[sflag:s11] =	ssyncadd.s32 $0xFFFFD880  }
0x3a: {  	_ =	sfence.sel $0x180000  }
0x3b: {  	[bflag:$0x0] =	sbarrier.arrive $0xFFFF  }
0x3c: {  	p0 =	sne.s32 s2, $0x0;
	_ =	strace $0x9000004A  }
0x3d: {  	s0 =	sadd.s32 @!p0 $0x100000, s0;
	[bflag:$0x2] =	sbarrier.arrive $0xFFFF  }
0x3e: {  	[sflag:s0] =	ssyncadd.tile.s32 @!p0 $0x1;
	_ =	shalt  }
.Lfunc_end2:
_tile_overlayer_lowered:
.L_overlay_start_2:
0x3f: {  	(tag) =	ssettag $0x2  }
0x40: {  	s0 =	rddreg [dreg:$0x0];
	s2 =	stileid.u32  }
0x41: {  	s1 =	rddreg [dreg:$0x1];
	p0 =	sne.s32 s2, $0x0  }
0x42: {  	s3 =	rddreg [dreg:$0x2];
	[bflag:$0x3] =	sbarrier.arrive $0xFFFF;
	s2 =	simm.s32 @!p0 $0x1C02  }
0x43: {  	[timem:s3], [sflag:s2] =	dma.local @!p0 [hbm:s0], s1  }
0x44: {  	s0 =	simm.s32 @!p0 $0x2  }
0x45: {  	_ =	swait.ge @!p0 [sflag:s0], s1  }
0x46: {  	s1 =	ssub.s32 @!p0 $0x0, s1;
	[sflag:s0] =	ssyncset.done @!p0 $0x0  }
0x47: {  	[sflag:s0] =	ssyncadd.s32 @!p0 s1  }
0x48: {  	[bflag:$0x3] =	sbarrier.arrive $0xFFFF  }
0x49: {  	_ =	shalt  }

// kernel: kernel.16.cloned.1.call-start
scs
__scs_entry_jumppad:
0x0: {  	(pc) =	sbr.rel $0x88, $3  }
0x1: {  	(tag) =	ssettag $0x0;
	lr =	simm.s32 $0x1  }
0x2: {  	[smem:$0x3F96] =	sst lr;
	_ =	strace $0xD0000000  }
0x3: {  	_ = 	snop  }
0x4: {  	_ = 	snop  }
0x5: {  	_ = 	snop  }
0x6: {  	_ = 	snop  }
0x7: {  	_ = 	snop  }
__scs_overlays_trampoline_lowered:
0x8: {  	[smem:$0x3FA5] =	sst s0  }
0x9: {  	[smem:$0x3FA6] =	sst s1  }
0xa: {  	[smem:$0x3FA7] =	sst s2  }
0xb: {  	[smem:$0x3FA8] =	sst s3  }
0xc: {  	[smem:$0x3FA9] =	sst s4  }
0xd: {  	[smem:$0x3FAA] =	sst s5  }
0xe: {  	[smem:$0x3FAB] =	sst s6  }
0xf: {  	[smem:$0x3FAC] =	sst s7  }
0x10: {  	[smem:$0x3FAD] =	sst s8  }
0x11: {  	[smem:$0x3FAE] =	sst s9;
	s0 =	simm.s32 @!p0 $0x0  }
0x12: {  	s1 =	sld [smem:$0x3F94];
	s0 =	simm.s32 @p0 $0x1  }
0x13: {  	[smem:$0x3FAF] =	sst s0;
	s0 =	simm.s32 @!p1 $0x0  }
0x14: {  	s2 =	sld [smem:$0x3F93];
	s0 =	simm.s32 @p1 $0x1  }
0x15: {  	[smem:$0x3FB0] =	sst s0;
	s0 =	simm.s32 @!p2 $0x0  }
0x16: {  	s3 =	sld [smem:$0x3FDB];
	s0 =	simm.s32 @p2 $0x1  }
0x17: {  	s4 =	simm.s32 $0x1BF5;
	[smem:$0x3FB2] =	sst s0  }
0x18: {  	s0 =	sld [smem:$0x3F95];
	_ =	swait.ge [sflag:s4], $0x0  }
0x19: {  	s7 =	sld [smem:$0x3F96]  }
0x1a: {  	s8 =	sadd.s32 $0xFFFFE003, lr  }
0x1b: {  	s9 =	sadd.s32 $0xFFFFFEF7, lr;
	s5 =	simm.s32 $0xFFFFFFFF;
	p2 =	slt.u32 s8, $0xFFFFF086  }
0x1c: {  	p1 =	slt.u32 s9, $0xF7A;
	s5 =	simm.s32 @!p2 $0x0  }
0x1d: {  	s5 =	simm.s32 @p1 $0x1;
	p0 =	seq.s32 s7, s2  }
0x1e: {  	s7 =	smul.u32 @!p0 $0xF7A, s2;
	p2 =	seq.s32 @!p0 s5, $0x0  }
0x1f: {  	s9 =	smul.u32 $0xF7A, s1;
	s8 =	simm.s32 @!p0 $0x1BF5;
	p2 =	por !p2, p0  }
0x20: {  	[sflag:s8] =	ssyncset.s32 @!p0 $0xFFFFF086;
	s6 =	sadd.s32 @!p0 s3, s7;
	s7 =	simm.s32 @!p0 $0x108  }
0x21: {  	s3 =	sadd.s32 s3, s9;
	s6 =	sadd.s32 @!p0 $0x88, s6;
	s7 =	simm.s32 @p2 $0x1082  }
0x22: {  	[simem:s7], [sflag:s8] =	dma.local @!p0 [hbm:s6], $0xF7A  }
0x23: {  	s9 =	sor.u32 $0xD0000000, s2;
	s6 =	simm.s32 $0x108;
	_ =	swait.ge @!p0 [sflag:s8], $0x0  }
0x24: {  	s3 =	sadd.s32 $0x88, s3;
	s6 =	simm.s32 @!p1 $0x1082;
	[sflag:s4] =	ssyncset.s32 $0xFFFFF086  }
0x25: {  	[simem:s6], [sflag:s4] =	dma.local [hbm:s3], $0xF7A  }
0x26: {  	[smem:$0x3F96] =	sst s1;
	(tag) =	ssettag s2;
	_ =	strace s9  }
0x27: {  	s1 =	sld [smem:$0x3FA6]  }
0x28: {  	s2 =	sld [smem:$0x3FA7]  }
0x29: {  	s4 =	sld [smem:$0x3FA9]  }
0x2a: {  	p0 =	seq.s32 s5, $0x0;
	s5 =	sld [smem:$0x3FAA]  }
0x2b: {  	s6 =	sld [smem:$0x3FAB]  }
0x2c: {  	s7 =	sld [smem:$0x3FAC]  }
0x2d: {  	s3 =	simm.s32 $0x108;
	s8 =	sld [smem:$0x3FAD]  }
0x2e: {  	s3 =	simm.s32 @!p0 $0x1082;
	s9 =	sld [smem:$0x3FAE]  }
0x2f: {  	lr =	sadd.s32 s0, s3;
	s0 =	sld [smem:$0x3FA5]  }
0x30: {  	s3 =	sld [smem:$0x3FA8]  }
0x31: {  	[smem:$0x3FB1] =	sst s10  }
0x32: {  	s10 =	sld [smem:$0x3FAF];
	_ =	sdelay $0x3  }
0x33: {  	p0 =	seq.s32 s10, $0x1;
	s10 =	sld [smem:$0x3FB1];
	_ =	sdelay $0x3  }
0x34: {  	[smem:$0x3FB1] =	sst s10  }
0x35: {  	s10 =	sld [smem:$0x3FB0];
	_ =	sdelay $0x3  }
0x36: {  	p1 =	seq.s32 s10, $0x1;
	s10 =	sld [smem:$0x3FB1];
	_ =	sdelay $0x3  }
0x37: {  	[smem:$0x3FB1] =	sst s10  }
0x38: {  	s10 =	sld [smem:$0x3FB2]  }
0x39: {  	_ = 	snop;
	(pc) =	sbr.ind lr, $3  }
0x3a: {  	_ = 	snop  }
0x3b: {  	_ = 	snop  }
0x3c: {  	p2 =	seq.s32 s10, $0x1;
	s10 =	sld [smem:$0x3FB1]  }
0x3d: {  	_ =	shalt  }
0x3e: {  	_ =	shalt  }
0x3f: {  	_ =	shalt  }
0x40: {  	_ =	shalt  }
0x41: {  	_ =	shalt  }
0x42: {  	_ =	shalt  }
0x43: {  	_ =	shalt  }
0x44: {  	_ =	shalt  }
0x45: {  	_ =	shalt  }
0x46: {  	_ =	shalt  }
0x47: {  	_ =	shalt  }
0x48: {  	_ =	shalt  }
0x49: {  	_ =	shalt  }
0x4a: {  	_ =	shalt  }
0x4b: {  	_ =	shalt  }
0x4c: {  	_ =	shalt  }
0x4d: {  	_ =	shalt  }
0x4e: {  	_ =	shalt  }
0x4f: {  	_ =	shalt  }
0x50: {  	_ =	shalt  }
0x51: {  	_ =	shalt  }
0x52: {  	_ =	shalt  }
0x53: {  	_ =	shalt  }
0x54: {  	_ =	shalt  }
0x55: {  	_ =	shalt  }
0x56: {  	_ =	shalt  }
0x57: {  	_ =	shalt  }
0x58: {  	_ =	shalt  }
0x59: {  	_ =	shalt  }
0x5a: {  	_ =	shalt  }
0x5b: {  	_ =	shalt  }
0x5c: {  	_ =	shalt  }
0x5d: {  	_ =	shalt  }
0x5e: {  	_ =	shalt  }
0x5f: {  	_ =	shalt  }
0x60: {  	_ =	shalt  }
0x61: {  	_ =	shalt  }
0x62: {  	_ =	shalt  }
0x63: {  	_ =	shalt  }
0x64: {  	_ =	shalt  }
0x65: {  	_ =	shalt  }
0x66: {  	_ =	shalt  }
0x67: {  	_ =	shalt  }
0x68: {  	_ =	shalt  }
0x69: {  	_ =	shalt  }
0x6a: {  	_ =	shalt  }
0x6b: {  	_ =	shalt  }
0x6c: {  	_ =	shalt  }
0x6d: {  	_ =	shalt  }
0x6e: {  	_ =	shalt  }
0x6f: {  	_ =	shalt  }
0x70: {  	_ =	shalt  }
0x71: {  	_ =	shalt  }
0x72: {  	_ =	shalt  }
0x73: {  	_ =	shalt  }
0x74: {  	_ =	shalt  }
0x75: {  	_ =	shalt  }
0x76: {  	_ =	shalt  }
0x77: {  	_ =	shalt  }
0x78: {  	_ =	shalt  }
0x79: {  	_ =	shalt  }
0x7a: {  	_ =	shalt  }
0x7b: {  	_ =	shalt  }
0x7c: {  	_ =	shalt  }
0x7d: {  	_ =	shalt  }
0x7e: {  	_ =	shalt  }
0x7f: {  	_ =	shalt  }
0x80: {  	_ =	shalt  }
0x81: {  	_ =	shalt  }
0x82: {  	_ =	shalt  }
0x83: {  	_ =	shalt  }
0x84: {  	_ =	shalt  }
0x85: {  	_ =	shalt  }
0x86: {  	_ =	shalt  }
0x87: {  	_ =	shalt  }
.Lfunc_end0:
.L_simem_size_0:
called_computation.2_lowered:
.L_overlay_start_0:
0x88: {  	s2 =	sld [smem:$0x3FD9]  }
0x89: {  	s3 =	sld [smem:$0x3FFE];
	_ =	sdelay $0x1  }
0x8a: {  	s1 =	srdreg.scid  }
0x8b: {  	s0 =	sand.u32 $0x1, s1  }
0x8c: {  	s16 =	sshll.u32 s0, $0xA;
	s2 =	sadd.s32 s3, s2  }
0x8d: {  	s2 =	sadd.s32 s2, s16  }
0x8e: {  	[smem:$0x3FBD] =	sst s2  }
0x8f: {  	_ = 	snop  }
0x90: {  	(tm) =	ssettm $0x1  }
0x91: {  	s17 =	sld [smem:$0x3FFB];
	_ =	sdelay $0x3  }
0x92: {  	_ =	strace s17  }
0x93: {  	s2 =	sld [smem:$0x3FFC];
	_ =	sdelay $0x3  }
0x94: {  	_ =	strace s2  }
0x95: {  	s2 =	sld [smem:$0x3FFD];
	_ =	sdelay $0x3  }
0x96: {  	_ =	strace s2  }
0x97: {  	_ =	strace $0x8FFFFFFF  }
0x98: {  	s18 =	sld [smem:$0x3FDB];
	_ =	sdelay $0x1  }
0x99: {  	s19 =	simm.s32 $_scs_section_size  }
0x9a: {  	s4 =	simm.s32 $_size__tile_overlayer_lowered;
	s5 =	simm.s32 $_tile_overlayer_lowered  }
0x9b: {  	s22 =	simm.s32 $0x1BFF;
	s21 =	sshll.u32 s5, $0x1;
	s2 =	sadd.s32 s19, s18  }
0x9c: {  	s6 =	simm.s32 $0x0;
	s20 =	sshll.u32 s4, $0x1;
	s4 =	sadd.s32 s21, s2  }
0x9d: {  	[timem:s6], [sflag:s22] =	dma.local [hbm:s4], s20  }
0x9e: {  	_ =	swait.ge [sflag:s22], s20  }
0x9f: {  	s3 =	ssub.s32 $0x0, s20;
	[sflag:s22] =	ssyncset.done $0x0  }
0xa0: {  	[sflag:s22] =	ssyncadd.s32 s3;
	_ =	sdelay $0x1  }
0xa1: {  	s23 =	simm.s32 $0x1B8B  }
0xa2: {  	_ =	swait.ge [sflag:s23], $0x1  }
0xa3: {  	[sflag:s23] =	ssyncset.done $0x0  }
0xa4: {  	s25 =	simm.s32 $0x1B8E;
	s24 =	sld [smem:$0x3FFE];
	[sflag:s23] =	ssyncadd.s32 $0xFFFFFFFF  }
0xa5: {  	s26 =	simm.s32 $execute0_lowered;
	[smem:$0x3FD2] =	sst s25  }
0xa6: {  	s4 =	sshll.u32 s26, $0x1;
	_ =	strace $0x8000004C;
	[dreg:$0x1] =	wrdreg $0xFFFFFFFF  }
0xa7: {  	s28 =	simm.s32 $_size_execute0_lowered;
	s2 =	sadd.s32 s2, s4;
	[dreg:$0x0] =	wrdreg $0x0  }
0xa8: {  	s4 =	sshll.u32 s28, $0x1;
	[dreg:$0x2] =	wrdreg s2  }
0xa9: {  	[dreg:$0x3] =	wrdreg s4  }
0xaa: {  	[dreg:$0x4] =	wrdreg $0xC0  }
0xab: {  	_ =	task [dreg:s6], $0x5FFFF  }
0xac: {  	[dreg:$0x1] =	wrdreg $0xFFFFFFFF  }
0xad: {  	[dreg:$0x0] =	wrdreg $0x60  }
0xae: {  	[dreg:$0x2] =	wrdreg s24  }
0xaf: {  	[dreg:$0x3] =	wrdreg $0xA8000  }
0xb0: {  	[dreg:$0x4] =	wrdreg $0x9  }
0xb1: {  	_ =	task.clear_ibuf [dreg:s6], $0x5FFFF;
	_ =	strace $0x9000004C  }
0xb2: {  	s29 =	simm.s32 $0x9;
	_ =	strace $0x8000004E  }
0xb3: {  	_ =	swait.ge [sflag:s29], $0x1  }
0xb4: {  	[sflag:s29] =	ssyncadd.s32 $0xFFFFFFFF  }
0xb5: {  	_ =	strace $0x9000004E  }
0xb6: {  	_ =	sfence  }
0xb7: {  	s30 =	sld [smem:$0x0];
	_ =	sdelay $0x2  }
0xb8: {  	s31 =	sshll.u32 s1, $0xD;
	s1 =	sshrl.u32 s1, $0x2  }
0xb9: {  	s3 =	sand.u32 $0x4000, s31;
	s1 =	sadd.s32 s1, s30  }
0xba: {  	s0 =	sor.u32 s3, s0;
	s1 =	sshll.u32 s1, $0x11  }
0xbb: {  	s0 =	sor.u32 s1, s0  }
0xbc: {  	s0 =	sadd.s32 $0x8F2B, s0  }
0xbd: {  	[sflag:s0] =	ssyncadd.remote.s32 $0x1  }
0xbe: {  	_ =	sfence.sel $0xFFFF  }
0xbf: {  	[dreg:$0x0] =	wrdreg $0xFFFFFFFF;
	(pc) =	sbr.abs _section_cstart, $3  }
0xc0: {  	[dreg:$0x1] =	wrdreg $0xFFFFFFFF  }
0xc1: {  	_ =	task.clear_ibuf [dreg:s6], $0x2FFFF;
	_ =	strace $0x9FFFFFFF  }
0xc2: {  	(tm) =	ssettm $0x7FFFFFFF  }
0xc3: {  	_ =	shalt  }
tec
execute0_lowered:
.L_overlay_start_1:
0x0: {  	(tag) =	ssettag $0x1  }
0x1: {  	s6 =	rddreg [dreg:$0x0]  }
0x2: {  	s1 =	rddreg [dreg:$0x1]  }
0x3: {  	s0 =	rddreg [dreg:$0x2];
	s3 =	simm.s32 $0x0;
	s4 =	srdreg.scid  }
0x4: {  	s2 =	stileid.u32;
	s13 =	simm.s32 $0x50;
	s14 =	simm.s32 $0x8000  }
0x5: {  	s15 =	simm.s32 $0x1;
	[smem:$0x7FF] =	sst s3;
	s5 =	sand.u32 $0x1, s4  }
0x6: {  	s8 =	sshll.u32 s2, $0xB;
	s4 =	sadd.s32 $0x25E00, s6;
	s10 =	smul.u32 $0x4F000, s2  }
0x7: {  	s31 =	sshll.u32 s2, $0x6;
	s17 =	smul.u32 $0x2780, s2;
	_ =	strace $0x8000004D  }
0x8: {  	s7 =	sshll.u32 s5, $0xF;
	s26 =	smul.u32 $0x27800, s5;
	s28 =	ssub.s32 $0x2, s5  }
0x9: {  	s5 =	sadd.s32 $0x23600, s6;
	s7 =	sor.u32 s8, s7;
	s29 =	sshrl.u32 s28, $0x1  }
0xa: {  	s30 =	sshrl.u32 s10, $0x2;
	s9 =	sadd.s32 s7, s6;
	s11 =	sadd.s32 s26, s6  }
0xb: {  	s12 =	ssub.s32 s28, s29;
	s10 =	sadd.s32 s30, s1;
	s6 =	sor.u32 $0x1C02, s31  }
0xc: {  	s7 =	sadd.s32 $0x3600, s9;
	s8 =	sadd.s32 $0x13600, s9;
	s16 =	sadd.s32 $0x4D000, s11  }
0xd: {  	s9 =	smax.u32 s12, $0x1;
	s10 =	sshrl.u32 s10, $0x3;
	s11 =	simm.s32 $0x2  }
0xe: {  	s12 =	simm.s32 $0x4000;
	s16 =	sadd.s32 s17, s16;
	s17 =	simm.s32 $0x0  }
.LBB2_1:
0xf: {  	[spmem:s10], [sflag:s6] =	dma.local [hbm:s5], $0x2780  }
0x10: {  	_ =	swait.ge [sflag:s11], $0x2780  }
0x11: {  	[sflag:s11] =	ssyncset.done $0x0  }
0x12: {  	[sflag:s11] =	ssyncadd.s32 $0xFFFFD880  }
0x13: {  	[tilespmem:s3], [sflag:$0x2] =	stream.linear.gather [hbm4b:s7+s3], $0x3E80, $0x38;
	[tilespmem:$0x1E400] =	vst v63  }
0x14: {  	_ =	swait.ge [sflag:s11], $0x3E80  }
0x15: {  	[sflag:s11] =	ssyncset.done $0x0  }
0x16: {  	[sflag:s11] =	ssyncadd.s32 $0xFFFFC180  }
0x17: {  	[tilespmem:s12], [sflag:$0x2] =	stream.linear.gather [hbm4b:s8+s3], $0x3E80, $0x38;
	[tilespmem:$0x1E400] =	vst v63  }
0x18: {  	_ =	swait.ge [sflag:s11], $0x3E80  }
0x19: {  	[sflag:s11] =	ssyncset.done $0x0  }
0x1a: {  	[sflag:s11] =	ssyncadd.s32 $0xFFFFC180  }
0x1b: {  	s18 =	simm.s32 $0x0;
	[bflag:$0x0] =	sbarrier.arrive $0xFFFF  }
0x1c: {  	[tilespmem:s14], [sflag:$0x1] =	stream.indirect.gather [hbm4b:s4+s13], $0x80, s18, s13, $0xb8;
	[tilespmem:$0x1E400] =	vst v63  }
0x1d: {  	_ =	swait.ge [sflag:s15], $0x2800  }
0x1e: {  	[sflag:s15] =	ssyncset.done $0x0  }
0x1f: {  	s31 =	simm.s32 $0x4000;
	[sflag:s15] =	ssyncadd.s32 $0xFFFFD800  }
0x20: {  	[spmem:s1] =	stream.indirect.scatter.add.f32 [tilespmem:s14], [sflag:$0x2], $0x80, s31, s13, $0xb8;
	[tilespmem:$0x1E400] =	vst v63  }
0x21: {  	_ =	swait.ge [sflag:s11], $0x2800  }
0x22: {  	s19 =	simm.s32 $0x400;
	s18 =	simm.s32 $0x200;
	[sflag:s11] =	ssyncset.done $0x0  }
.LBB2_2:
0x23: {  	s20 =	sshra.s32 s18, $0x2  }
0x24: {  	[sflag:s11] =	ssyncadd.s32 $0xFFFFD800;
	s18 =	smov.u32 s19;
	s21 =	sadd.s32 $0x200, s19  }
0x25: {  	[tilespmem:s14], [sflag:$0x1] =	stream.indirect.gather [hbm4b:s4+s13], $0x80, s20, s13, $0xb8;
	[tilespmem:$0x1E400] =	vst v63  }
0x26: {  	p0 =	sne.s32 s19, $0xF800;
	_ =	swait.ge [sflag:s15], $0x2800  }
.Ltmp0:
0x27: {  	[sflag:s15] =	ssyncset.done $0x0;
	(pc) =	sbr.rel @p0 .LBB2_2-.Ltmp0, $4  }
0x28: {  	s19 =	sadd.s32 $0x4000, s20;
	[sflag:s15] =	ssyncadd.s32 $0xFFFFD800  }
0x29: {  	[spmem:s1] =	stream.indirect.scatter.add.f32 [tilespmem:s14], [sflag:$0x2], $0x80, s19, s13, $0xb8;
	[tilespmem:$0x1E400] =	vst v63  }
0x2a: {  	_ =	swait.ge [sflag:s11], $0x2800  }
0x2b: {  	s19 =	smov.u32 s21;
	[sflag:s11] =	ssyncset.done $0x0  }
0x2c: {  	s18 =	sshra.s32 s18, $0x2;
	[sflag:s11] =	ssyncadd.s32 $0xFFFFD800  }
0x2d: {  	[tilespmem:s14], [sflag:$0x1] =	stream.indirect.gather [hbm4b:s4+s13], $0x80, s18, s13, $0xb8;
	[tilespmem:$0x1E400] =	vst v63  }
0x2e: {  	_ =	swait.ge [sflag:s15], $0x2800  }
0x2f: {  	[sflag:s15] =	ssyncset.done $0x0  }
0x30: {  	s18 =	sadd.s32 $0x4000, s18;
	[sflag:s15] =	ssyncadd.s32 $0xFFFFD800  }
0x31: {  	[spmem:s1] =	stream.indirect.scatter.add.f32 [tilespmem:s14], [sflag:$0x2], $0x80, s18, s13, $0xb8;
	[tilespmem:$0x1E400] =	vst v63  }
0x32: {  	_ =	swait.ge [sflag:s11], $0x2800  }
0x33: {  	s17 =	sadd.s32 $0x1, s17;
	[sflag:s11] =	ssyncset.done $0x0  }
0x34: {  	p0 =	sne.s32 s17, s9;
	[sflag:s11] =	ssyncadd.s32 $0xFFFFD800  }
.Ltmp1:
0x35: {  	[bflag:$0x0] =	sbarrier.arrive $0xFFFF;
	(pc) =	sbr.rel @p0 .LBB2_1-.Ltmp1, $4  }
0x36: {  	[hbm:s16], [sflag:s6] =	dma.local [spmem:s10], $0x2780  }
0x37: {  	_ =	swait.ge [sflag:s11], $0x2780  }
0x38: {  	[sflag:s11] =	ssyncset.done $0x0  }
0x39: {  	[sflag:s11] =	ssyncadd.s32 $0xFFFFD880  }
0x3a: {  	_ =	sfence.sel $0x180000  }
0x3b: {  	[bflag:$0x0] =	sbarrier.arrive $0xFFFF  }
0x3c: {  	p0 =	sne.s32 s2, $0x0;
	_ =	strace $0x9000004D  }
0x3d: {  	s0 =	sadd.s32 @!p0 $0x100000, s0;
	[bflag:$0x2] =	sbarrier.arrive $0xFFFF  }
0x3e: {  	[sflag:s0] =	ssyncadd.tile.s32 @!p0 $0x1;
	_ =	shalt  }
.Lfunc_end2:
_tile_overlayer_lowered:
.L_overlay_start_2:
0x3f: {  	(tag) =	ssettag $0x2  }
0x40: {  	s0 =	rddreg [dreg:$0x0];
	s2 =	stileid.u32  }
0x41: {  	s1 =	rddreg [dreg:$0x1];
	p0 =	sne.s32 s2, $0x0  }
0x42: {  	s3 =	rddreg [dreg:$0x2];
	[bflag:$0x3] =	sbarrier.arrive $0xFFFF;
	s2 =	simm.s32 @!p0 $0x1C02  }
0x43: {  	[timem:s3], [sflag:s2] =	dma.local @!p0 [hbm:s0], s1  }
0x44: {  	s0 =	simm.s32 @!p0 $0x2  }
0x45: {  	_ =	swait.ge @!p0 [sflag:s0], s1  }
0x46: {  	s1 =	ssub.s32 @!p0 $0x0, s1;
	[sflag:s0] =	ssyncset.done @!p0 $0x0  }
0x47: {  	[sflag:s0] =	ssyncadd.s32 @!p0 s1  }
0x48: {  	[bflag:$0x3] =	sbarrier.arrive $0xFFFF  }
0x49: {  	_ =	shalt  }

// kernel: kernel.19.cloned.1.call-start
scs
__scs_entry_jumppad:
0x0: {  	(pc) =	sbr.rel $0x88, $3  }
0x1: {  	(tag) =	ssettag $0x0;
	lr =	simm.s32 $0x1  }
0x2: {  	[smem:$0x3F96] =	sst lr;
	_ =	strace $0xD0000000  }
0x3: {  	_ = 	snop  }
0x4: {  	_ = 	snop  }
0x5: {  	_ = 	snop  }
0x6: {  	_ = 	snop  }
0x7: {  	_ = 	snop  }
__scs_overlays_trampoline_lowered:
0x8: {  	[smem:$0x3FA5] =	sst s0  }
0x9: {  	[smem:$0x3FA6] =	sst s1  }
0xa: {  	[smem:$0x3FA7] =	sst s2  }
0xb: {  	[smem:$0x3FA8] =	sst s3  }
0xc: {  	[smem:$0x3FA9] =	sst s4  }
0xd: {  	[smem:$0x3FAA] =	sst s5  }
0xe: {  	[smem:$0x3FAB] =	sst s6  }
0xf: {  	[smem:$0x3FAC] =	sst s7  }
0x10: {  	[smem:$0x3FAD] =	sst s8  }
0x11: {  	[smem:$0x3FAE] =	sst s9;
	s0 =	simm.s32 @!p0 $0x0  }
0x12: {  	s1 =	sld [smem:$0x3F94];
	s0 =	simm.s32 @p0 $0x1  }
0x13: {  	[smem:$0x3FAF] =	sst s0;
	s0 =	simm.s32 @!p1 $0x0  }
0x14: {  	s2 =	sld [smem:$0x3F93];
	s0 =	simm.s32 @p1 $0x1  }
0x15: {  	[smem:$0x3FB0] =	sst s0;
	s0 =	simm.s32 @!p2 $0x0  }
0x16: {  	s3 =	sld [smem:$0x3FDB];
	s0 =	simm.s32 @p2 $0x1  }
0x17: {  	s4 =	simm.s32 $0x1BF5;
	[smem:$0x3FB2] =	sst s0  }
0x18: {  	s0 =	sld [smem:$0x3F95];
	_ =	swait.ge [sflag:s4], $0x0  }
0x19: {  	s7 =	sld [smem:$0x3F96]  }
0x1a: {  	s8 =	sadd.s32 $0xFFFFE003, lr  }
0x1b: {  	s9 =	sadd.s32 $0xFFFFFEF7, lr;
	s5 =	simm.s32 $0xFFFFFFFF;
	p2 =	slt.u32 s8, $0xFFFFF086  }
0x1c: {  	p1 =	slt.u32 s9, $0xF7A;
	s5 =	simm.s32 @!p2 $0x0  }
0x1d: {  	s5 =	simm.s32 @p1 $0x1;
	p0 =	seq.s32 s7, s2  }
0x1e: {  	s7 =	smul.u32 @!p0 $0xF7A, s2;
	p2 =	seq.s32 @!p0 s5, $0x0  }
0x1f: {  	s9 =	smul.u32 $0xF7A, s1;
	s8 =	simm.s32 @!p0 $0x1BF5;
	p2 =	por !p2, p0  }
0x20: {  	[sflag:s8] =	ssyncset.s32 @!p0 $0xFFFFF086;
	s6 =	sadd.s32 @!p0 s3, s7;
	s7 =	simm.s32 @!p0 $0x108  }
0x21: {  	s3 =	sadd.s32 s3, s9;
	s6 =	sadd.s32 @!p0 $0x88, s6;
	s7 =	simm.s32 @p2 $0x1082  }
0x22: {  	[simem:s7], [sflag:s8] =	dma.local @!p0 [hbm:s6], $0xF7A  }
0x23: {  	s9 =	sor.u32 $0xD0000000, s2;
	s6 =	simm.s32 $0x108;
	_ =	swait.ge @!p0 [sflag:s8], $0x0  }
0x24: {  	s3 =	sadd.s32 $0x88, s3;
	s6 =	simm.s32 @!p1 $0x1082;
	[sflag:s4] =	ssyncset.s32 $0xFFFFF086  }
0x25: {  	[simem:s6], [sflag:s4] =	dma.local [hbm:s3], $0xF7A  }
0x26: {  	[smem:$0x3F96] =	sst s1;
	(tag) =	ssettag s2;
	_ =	strace s9  }
0x27: {  	s1 =	sld [smem:$0x3FA6]  }
0x28: {  	s2 =	sld [smem:$0x3FA7]  }
0x29: {  	s4 =	sld [smem:$0x3FA9]  }
0x2a: {  	p0 =	seq.s32 s5, $0x0;
	s5 =	sld [smem:$0x3FAA]  }
0x2b: {  	s6 =	sld [smem:$0x3FAB]  }
0x2c: {  	s7 =	sld [smem:$0x3FAC]  }
0x2d: {  	s3 =	simm.s32 $0x108;
	s8 =	sld [smem:$0x3FAD]  }
0x2e: {  	s3 =	simm.s32 @!p0 $0x1082;
	s9 =	sld [smem:$0x3FAE]  }
0x2f: {  	lr =	sadd.s32 s0, s3;
	s0 =	sld [smem:$0x3FA5]  }
0x30: {  	s3 =	sld [smem:$0x3FA8]  }
0x31: {  	[smem:$0x3FB1] =	sst s10  }
0x32: {  	s10 =	sld [smem:$0x3FAF];
	_ =	sdelay $0x3  }
0x33: {  	p0 =	seq.s32 s10, $0x1;
	s10 =	sld [smem:$0x3FB1];
	_ =	sdelay $0x3  }
0x34: {  	[smem:$0x3FB1] =	sst s10  }
0x35: {  	s10 =	sld [smem:$0x3FB0];
	_ =	sdelay $0x3  }
0x36: {  	p1 =	seq.s32 s10, $0x1;
	s10 =	sld [smem:$0x3FB1];
	_ =	sdelay $0x3  }
0x37: {  	[smem:$0x3FB1] =	sst s10  }
0x38: {  	s10 =	sld [smem:$0x3FB2]  }
0x39: {  	_ = 	snop;
	(pc) =	sbr.ind lr, $3  }
0x3a: {  	_ = 	snop  }
0x3b: {  	_ = 	snop  }
0x3c: {  	p2 =	seq.s32 s10, $0x1;
	s10 =	sld [smem:$0x3FB1]  }
0x3d: {  	_ =	shalt  }
0x3e: {  	_ =	shalt  }
0x3f: {  	_ =	shalt  }
0x40: {  	_ =	shalt  }
0x41: {  	_ =	shalt  }
0x42: {  	_ =	shalt  }
0x43: {  	_ =	shalt  }
0x44: {  	_ =	shalt  }
0x45: {  	_ =	shalt  }
0x46: {  	_ =	shalt  }
0x47: {  	_ =	shalt  }
0x48: {  	_ =	shalt  }
0x49: {  	_ =	shalt  }
0x4a: {  	_ =	shalt  }
0x4b: {  	_ =	shalt  }
0x4c: {  	_ =	shalt  }
0x4d: {  	_ =	shalt  }
0x4e: {  	_ =	shalt  }
0x4f: {  	_ =	shalt  }
0x50: {  	_ =	shalt  }
0x51: {  	_ =	shalt  }
0x52: {  	_ =	shalt  }
0x53: {  	_ =	shalt  }
0x54: {  	_ =	shalt  }
0x55: {  	_ =	shalt  }
0x56: {  	_ =	shalt  }
0x57: {  	_ =	shalt  }
0x58: {  	_ =	shalt  }
0x59: {  	_ =	shalt  }
0x5a: {  	_ =	shalt  }
0x5b: {  	_ =	shalt  }
0x5c: {  	_ =	shalt  }
0x5d: {  	_ =	shalt  }
0x5e: {  	_ =	shalt  }
0x5f: {  	_ =	shalt  }
0x60: {  	_ =	shalt  }
0x61: {  	_ =	shalt  }
0x62: {  	_ =	shalt  }
0x63: {  	_ =	shalt  }
0x64: {  	_ =	shalt  }
0x65: {  	_ =	shalt  }
0x66: {  	_ =	shalt  }
0x67: {  	_ =	shalt  }
0x68: {  	_ =	shalt  }
0x69: {  	_ =	shalt  }
0x6a: {  	_ =	shalt  }
0x6b: {  	_ =	shalt  }
0x6c: {  	_ =	shalt  }
0x6d: {  	_ =	shalt  }
0x6e: {  	_ =	shalt  }
0x6f: {  	_ =	shalt  }
0x70: {  	_ =	shalt  }
0x71: {  	_ =	shalt  }
0x72: {  	_ =	shalt  }
0x73: {  	_ =	shalt  }
0x74: {  	_ =	shalt  }
0x75: {  	_ =	shalt  }
0x76: {  	_ =	shalt  }
0x77: {  	_ =	shalt  }
0x78: {  	_ =	shalt  }
0x79: {  	_ =	shalt  }
0x7a: {  	_ =	shalt  }
0x7b: {  	_ =	shalt  }
0x7c: {  	_ =	shalt  }
0x7d: {  	_ =	shalt  }
0x7e: {  	_ =	shalt  }
0x7f: {  	_ =	shalt  }
0x80: {  	_ =	shalt  }
0x81: {  	_ =	shalt  }
0x82: {  	_ =	shalt  }
0x83: {  	_ =	shalt  }
0x84: {  	_ =	shalt  }
0x85: {  	_ =	shalt  }
0x86: {  	_ =	shalt  }
0x87: {  	_ =	shalt  }
.Lfunc_end0:
.L_simem_size_0:
called_computation.3_lowered:
.L_overlay_start_0:
0x88: {  	s2 =	sld [smem:$0x3FD9]  }
0x89: {  	s3 =	sld [smem:$0x3FFE];
	_ =	sdelay $0x1  }
0x8a: {  	s1 =	srdreg.scid  }
0x8b: {  	s0 =	sand.u32 $0x1, s1  }
0x8c: {  	s16 =	sshll.u32 s0, $0xA;
	s2 =	sadd.s32 s3, s2  }
0x8d: {  	s2 =	sadd.s32 s2, s16  }
0x8e: {  	[smem:$0x3FBD] =	sst s2  }
0x8f: {  	_ = 	snop  }
0x90: {  	(tm) =	ssettm $0x1  }
0x91: {  	s17 =	sld [smem:$0x3FFB];
	_ =	sdelay $0x3  }
0x92: {  	_ =	strace s17  }
0x93: {  	s2 =	sld [smem:$0x3FFC];
	_ =	sdelay $0x3  }
0x94: {  	_ =	strace s2  }
0x95: {  	s2 =	sld [smem:$0x3FFD];
	_ =	sdelay $0x3  }
0x96: {  	_ =	strace s2  }
0x97: {  	_ =	strace $0x8FFFFFFF  }
0x98: {  	s18 =	sld [smem:$0x3FDB];
	_ =	sdelay $0x1  }
0x99: {  	s19 =	simm.s32 $_scs_section_size  }
0x9a: {  	s4 =	simm.s32 $_size__tile_overlayer_lowered;
	s5 =	simm.s32 $_tile_overlayer_lowered  }
0x9b: {  	s22 =	simm.s32 $0x1BFF;
	s21 =	sshll.u32 s5, $0x1;
	s2 =	sadd.s32 s19, s18  }
0x9c: {  	s6 =	simm.s32 $0x0;
	s20 =	sshll.u32 s4, $0x1;
	s4 =	sadd.s32 s21, s2  }
0x9d: {  	[timem:s6], [sflag:s22] =	dma.local [hbm:s4], s20  }
0x9e: {  	_ =	swait.ge [sflag:s22], s20  }
0x9f: {  	s3 =	ssub.s32 $0x0, s20;
	[sflag:s22] =	ssyncset.done $0x0  }
0xa0: {  	[sflag:s22] =	ssyncadd.s32 s3;
	_ =	sdelay $0x1  }
0xa1: {  	s23 =	simm.s32 $0x1B8B  }
0xa2: {  	_ =	swait.ge [sflag:s23], $0x1  }
0xa3: {  	[sflag:s23] =	ssyncset.done $0x0  }
0xa4: {  	s25 =	simm.s32 $0x1B8E;
	s24 =	sld [smem:$0x3FFE];
	[sflag:s23] =	ssyncadd.s32 $0xFFFFFFFF  }
0xa5: {  	s26 =	simm.s32 $execute0_lowered;
	[smem:$0x3FD2] =	sst s25  }
0xa6: {  	s4 =	sshll.u32 s26, $0x1;
	_ =	strace $0x8000004F;
	[dreg:$0x1] =	wrdreg $0xFFFFFFFF  }
0xa7: {  	s28 =	simm.s32 $_size_execute0_lowered;
	s2 =	sadd.s32 s2, s4;
	[dreg:$0x0] =	wrdreg $0x0  }
0xa8: {  	s4 =	sshll.u32 s28, $0x1;
	[dreg:$0x2] =	wrdreg s2  }
0xa9: {  	[dreg:$0x3] =	wrdreg s4  }
0xaa: {  	[dreg:$0x4] =	wrdreg $0xC0  }
0xab: {  	_ =	task [dreg:s6], $0x5FFFF  }
0xac: {  	[dreg:$0x1] =	wrdreg $0xFFFFFFFF  }
0xad: {  	[dreg:$0x0] =	wrdreg $0x60  }
0xae: {  	[dreg:$0x2] =	wrdreg s24  }
0xaf: {  	[dreg:$0x3] =	wrdreg $0xA8000  }
0xb0: {  	[dreg:$0x4] =	wrdreg $0x9  }
0xb1: {  	_ =	task.clear_ibuf [dreg:s6], $0x5FFFF;
	_ =	strace $0x9000004F  }
0xb2: {  	s29 =	simm.s32 $0x9;
	_ =	strace $0x80000051  }
0xb3: {  	_ =	swait.ge [sflag:s29], $0x1  }
0xb4: {  	[sflag:s29] =	ssyncadd.s32 $0xFFFFFFFF  }
0xb5: {  	_ =	strace $0x90000051  }
0xb6: {  	_ =	sfence  }
0xb7: {  	s30 =	sld [smem:$0x0];
	_ =	sdelay $0x2  }
0xb8: {  	s31 =	sshll.u32 s1, $0xD;
	s1 =	sshrl.u32 s1, $0x2  }
0xb9: {  	s3 =	sand.u32 $0x4000, s31;
	s1 =	sadd.s32 s1, s30  }
0xba: {  	s0 =	sor.u32 s3, s0;
	s1 =	sshll.u32 s1, $0x11  }
0xbb: {  	s0 =	sor.u32 s1, s0  }
0xbc: {  	s0 =	sadd.s32 $0x8F2B, s0  }
0xbd: {  	[sflag:s0] =	ssyncadd.remote.s32 $0x1  }
0xbe: {  	_ =	sfence.sel $0xFFFF  }
0xbf: {  	[dreg:$0x0] =	wrdreg $0xFFFFFFFF;
	(pc) =	sbr.abs _section_cstart, $3  }
0xc0: {  	[dreg:$0x1] =	wrdreg $0xFFFFFFFF  }
0xc1: {  	_ =	task.clear_ibuf [dreg:s6], $0x2FFFF;
	_ =	strace $0x9FFFFFFF  }
0xc2: {  	(tm) =	ssettm $0x7FFFFFFF  }
0xc3: {  	_ =	shalt  }
tec
execute0_lowered:
.L_overlay_start_1:
0x0: {  	(tag) =	ssettag $0x1  }
0x1: {  	s6 =	rddreg [dreg:$0x0]  }
0x2: {  	s1 =	rddreg [dreg:$0x1]  }
0x3: {  	s0 =	rddreg [dreg:$0x2];
	s3 =	simm.s32 $0x0;
	s4 =	srdreg.scid  }
0x4: {  	s2 =	stileid.u32;
	s13 =	simm.s32 $0x50;
	s14 =	simm.s32 $0x8000  }
0x5: {  	s15 =	simm.s32 $0x1;
	[smem:$0x7FF] =	sst s3;
	s5 =	sand.u32 $0x1, s4  }
0x6: {  	s8 =	sshll.u32 s2, $0xB;
	s4 =	sadd.s32 $0x25E00, s6;
	s10 =	smul.u32 $0x4F000, s2  }
0x7: {  	s31 =	sshll.u32 s2, $0x6;
	s17 =	smul.u32 $0x2780, s2;
	_ =	strace $0x80000050  }
0x8: {  	s7 =	sshll.u32 s5, $0xF;
	s26 =	smul.u32 $0x27800, s5;
	s28 =	ssub.s32 $0x2, s5  }
0x9: {  	s5 =	sadd.s32 $0x23600, s6;
	s7 =	sor.u32 s8, s7;
	s29 =	sshrl.u32 s28, $0x1  }
0xa: {  	s30 =	sshrl.u32 s10, $0x2;
	s9 =	sadd.s32 s7, s6;
	s11 =	sadd.s32 s26, s6  }
0xb: {  	s12 =	ssub.s32 s28, s29;
	s10 =	sadd.s32 s30, s1;
	s6 =	sor.u32 $0x1C02, s31  }
0xc: {  	s7 =	sadd.s32 $0x3600, s9;
	s8 =	sadd.s32 $0x13600, s9;
	s16 =	sadd.s32 $0x4D000, s11  }
0xd: {  	s9 =	smax.u32 s12, $0x1;
	s10 =	sshrl.u32 s10, $0x3;
	s11 =	simm.s32 $0x2  }
0xe: {  	s12 =	simm.s32 $0x4000;
	s16 =	sadd.s32 s17, s16;
	s17 =	simm.s32 $0x0  }
.LBB2_1:
0xf: {  	[spmem:s10], [sflag:s6] =	dma.local [hbm:s5], $0x2780  }
0x10: {  	_ =	swait.ge [sflag:s11], $0x2780  }
0x11: {  	[sflag:s11] =	ssyncset.done $0x0  }
0x12: {  	[sflag:s11] =	ssyncadd.s32 $0xFFFFD880  }
0x13: {  	[tilespmem:s3], [sflag:$0x2] =	stream.linear.gather [hbm4b:s7+s3], $0x3E80, $0x38;
	[tilespmem:$0x1E400] =	vst v63  }
0x14: {  	_ =	swait.ge [sflag:s11], $0x3E80  }
0x15: {  	[sflag:s11] =	ssyncset.done $0x0  }
0x16: {  	[sflag:s11] =	ssyncadd.s32 $0xFFFFC180  }
0x17: {  	[tilespmem:s12], [sflag:$0x2] =	stream.linear.gather [hbm4b:s8+s3], $0x3E80, $0x38;
	[tilespmem:$0x1E400] =	vst v63  }
0x18: {  	_ =	swait.ge [sflag:s11], $0x3E80  }
0x19: {  	[sflag:s11] =	ssyncset.done $0x0  }
0x1a: {  	[sflag:s11] =	ssyncadd.s32 $0xFFFFC180  }
0x1b: {  	s18 =	simm.s32 $0x0;
	[bflag:$0x0] =	sbarrier.arrive $0xFFFF  }
0x1c: {  	[tilespmem:s14], [sflag:$0x1] =	stream.indirect.gather [hbm4b:s4+s13], $0x80, s18, s13, $0xb8;
	[tilespmem:$0x1E400] =	vst v63  }
0x1d: {  	_ =	swait.ge [sflag:s15], $0x2800  }
0x1e: {  	[sflag:s15] =	ssyncset.done $0x0  }
0x1f: {  	s31 =	simm.s32 $0x4000;
	[sflag:s15] =	ssyncadd.s32 $0xFFFFD800  }
0x20: {  	[spmem:s1] =	stream.indirect.scatter.add.f32 [tilespmem:s14], [sflag:$0x2], $0x80, s31, s13, $0xb8;
	[tilespmem:$0x1E400] =	vst v63  }
0x21: {  	_ =	swait.ge [sflag:s11], $0x2800  }
0x22: {  	s19 =	simm.s32 $0x400;
	s18 =	simm.s32 $0x200;
	[sflag:s11] =	ssyncset.done $0x0  }
.LBB2_2:
0x23: {  	s20 =	sshra.s32 s18, $0x2  }
0x24: {  	[sflag:s11] =	ssyncadd.s32 $0xFFFFD800;
	s18 =	smov.u32 s19;
	s21 =	sadd.s32 $0x200, s19  }
0x25: {  	[tilespmem:s14], [sflag:$0x1] =	stream.indirect.gather [hbm4b:s4+s13], $0x80, s20, s13, $0xb8;
	[tilespmem:$0x1E400] =	vst v63  }
0x26: {  	p0 =	sne.s32 s19, $0xF800;
	_ =	swait.ge [sflag:s15], $0x2800  }
.Ltmp0:
0x27: {  	[sflag:s15] =	ssyncset.done $0x0;
	(pc) =	sbr.rel @p0 .LBB2_2-.Ltmp0, $4  }
0x28: {  	s19 =	sadd.s32 $0x4000, s20;
	[sflag:s15] =	ssyncadd.s32 $0xFFFFD800  }
0x29: {  	[spmem:s1] =	stream.indirect.scatter.add.f32 [tilespmem:s14], [sflag:$0x2], $0x80, s19, s13, $0xb8;
	[tilespmem:$0x1E400] =	vst v63  }
0x2a: {  	_ =	swait.ge [sflag:s11], $0x2800  }
0x2b: {  	s19 =	smov.u32 s21;
	[sflag:s11] =	ssyncset.done $0x0  }
0x2c: {  	s18 =	sshra.s32 s18, $0x2;
	[sflag:s11] =	ssyncadd.s32 $0xFFFFD800  }
0x2d: {  	[tilespmem:s14], [sflag:$0x1] =	stream.indirect.gather [hbm4b:s4+s13], $0x80, s18, s13, $0xb8;
	[tilespmem:$0x1E400] =	vst v63  }
0x2e: {  	_ =	swait.ge [sflag:s15], $0x2800  }
0x2f: {  	[sflag:s15] =	ssyncset.done $0x0  }
0x30: {  	s18 =	sadd.s32 $0x4000, s18;
	[sflag:s15] =	ssyncadd.s32 $0xFFFFD800  }
0x31: {  	[spmem:s1] =	stream.indirect.scatter.add.f32 [tilespmem:s14], [sflag:$0x2], $0x80, s18, s13, $0xb8;
	[tilespmem:$0x1E400] =	vst v63  }
0x32: {  	_ =	swait.ge [sflag:s11], $0x2800  }
0x33: {  	s17 =	sadd.s32 $0x1, s17;
	[sflag:s11] =	ssyncset.done $0x0  }
0x34: {  	p0 =	sne.s32 s17, s9;
	[sflag:s11] =	ssyncadd.s32 $0xFFFFD800  }
.Ltmp1:
0x35: {  	[bflag:$0x0] =	sbarrier.arrive $0xFFFF;
	(pc) =	sbr.rel @p0 .LBB2_1-.Ltmp1, $4  }
0x36: {  	[hbm:s16], [sflag:s6] =	dma.local [spmem:s10], $0x2780  }
0x37: {  	_ =	swait.ge [sflag:s11], $0x2780  }
0x38: {  	[sflag:s11] =	ssyncset.done $0x0  }
0x39: {  	[sflag:s11] =	ssyncadd.s32 $0xFFFFD880  }
0x3a: {  	_ =	sfence.sel $0x180000  }
0x3b: {  	[bflag:$0x0] =	sbarrier.arrive $0xFFFF  }
0x3c: {  	p0 =	sne.s32 s2, $0x0;
	_ =	strace $0x90000050  }
0x3d: {  	s0 =	sadd.s32 @!p0 $0x100000, s0;
	[bflag:$0x2] =	sbarrier.arrive $0xFFFF  }
0x3e: {  	[sflag:s0] =	ssyncadd.tile.s32 @!p0 $0x1;
	_ =	shalt  }
.Lfunc_end2:
_tile_overlayer_lowered:
.L_overlay_start_2:
0x3f: {  	(tag) =	ssettag $0x2  }
0x40: {  	s0 =	rddreg [dreg:$0x0];
	s2 =	stileid.u32  }
0x41: {  	s1 =	rddreg [dreg:$0x1];
	p0 =	sne.s32 s2, $0x0  }
0x42: {  	s3 =	rddreg [dreg:$0x2];
	[bflag:$0x3] =	sbarrier.arrive $0xFFFF;
	s2 =	simm.s32 @!p0 $0x1C02  }
0x43: {  	[timem:s3], [sflag:s2] =	dma.local @!p0 [hbm:s0], s1  }
0x44: {  	s0 =	simm.s32 @!p0 $0x2  }
0x45: {  	_ =	swait.ge @!p0 [sflag:s0], s1  }
0x46: {  	s1 =	ssub.s32 @!p0 $0x0, s1;
	[sflag:s0] =	ssyncset.done @!p0 $0x0  }
0x47: {  	[sflag:s0] =	ssyncadd.s32 @!p0 s1  }
0x48: {  	[bflag:$0x3] =	sbarrier.arrive $0xFFFF  }
0x49: {  	_ =	shalt  }

</sc_bundles>
